<compile_context>
chip_gen: v7x
topology: tpu7x:2x2x1
jax: 0.10.2.dev20260603
libtpu: 0.0.44.dev20260713+nightly
codegen_flags: <defaults>
</compile_context>

<pallas_src>
import functools

import jax
import jax.numpy as jnp
from jax import lax
from jax.experimental import pallas as pl
from jax.experimental.pallas import tpu as pltpu
from jax.experimental.pallas import tpu_sc as plsc

N = 10000
D = 128
E = 320000
ALPHA = 0.2

NC = 2
NS = 16
NW = NC * NS

CH = 80
E_PER_TILE = CH * 128
E_PAD = NW * E_PER_TILE
N_CHUNK = E_PAD // 128
CHT = N_CHUNK // NW
N_PAD = 10112
STRIPE = N_PAD // NS

_MESH = plsc.VectorSubcoreMesh(
    core_axis_name="c", subcore_axis_name="s", num_cores=NC, num_subcores=NS
)


DW = 16


def _deg_body(dst_hbm, deg_out, dst_v, ones_buf, acc):
    c = lax.axis_index("c")
    s = lax.axis_index("s")
    w = c * NS + s
    zeros16 = jnp.zeros((16,), jnp.float32)

    def zero(r, _):
        ones_buf[r, pl.ds(0, 16)] = zeros16
        return 0

    lax.fori_loop(0, 128, zero, 0)
    base = s * STRIPE
    for k in range(STRIPE // 128):
        pltpu.sync_copy(ones_buf, acc.at[pl.ds(base + k * 128, 128)])
    rem = STRIPE % 128
    pltpu.sync_copy(ones_buf.at[pl.ds(0, rem)], acc.at[pl.ds(base + STRIPE - rem, rem)])
    ones16 = jnp.ones((16,), jnp.float32)

    def fill(r, _):
        ones_buf[r, pl.ds(0, 16)] = ones16
        return 0

    lax.fori_loop(0, 128, fill, 0)
    pltpu.sync_copy(dst_hbm.at[w], dst_v)
    plsc.subcore_barrier()

    def step(j, _):
        pltpu.sync_copy(ones_buf, acc.at[dst_v.at[j]], add=True)
        return 0

    lax.fori_loop(0, CH, step, 0)
    plsc.subcore_barrier()
    pltpu.sync_copy(acc.at[pl.ds(base, STRIPE)], deg_out.at[c, pl.ds(base, STRIPE)])


_deg_call = pl.kernel(
    _deg_body,
    out_type=jax.ShapeDtypeStruct((NC, N_PAD, DW), jnp.float32),
    mesh=_MESH,
    scratch_types=[
        pltpu.VMEM((CH, 128), jnp.int32),
        pltpu.VMEM((128, DW), jnp.float32),
        pltpu.VMEM_SHARED((N_PAD, DW), jnp.float32),
    ],
)


MMB = N_PAD // 8


def _mm_body(x_ref, w_ref, deg_ref, g_ref, dinv_ref):
    i = pl.program_id(0)
    deg = (deg_ref[0] + deg_ref[1])[:, 0:1] + 1.0
    dv = lax.rsqrt(deg)
    row = i * MMB + lax.broadcasted_iota(jnp.int32, (MMB, 1), 0)
    dv = jnp.where(row < N, dv, 0.0)
    h = jnp.dot(x_ref[...], w_ref[...], preferred_element_type=jnp.float32)
    g_ref[...] = dv * h
    dinv_ref[...] = dv


def _mm_call(x, W, deg):
    return pl.pallas_call(
        _mm_body,
        grid=(N_PAD // MMB,),
        in_specs=[
            pl.BlockSpec((MMB, D), lambda i: (i, 0)),
            pl.BlockSpec((D, D), lambda i: (0, 0)),
            pl.BlockSpec((NC, MMB, DW), lambda i: (0, i, 0)),
        ],
        out_specs=[
            pl.BlockSpec((MMB, D), lambda i: (i, 0)),
            pl.BlockSpec((MMB, 1), lambda i: (i, 0)),
        ],
        out_shape=[
            jax.ShapeDtypeStruct((N_PAD, D), jnp.float32),
            jax.ShapeDtypeStruct((N_PAD, 1), jnp.float32),
        ],
    )(x, W, deg)


def _agg_body(g_hbm, src_hbm, dst_hbm, out_hbm, src_v, dst_v, buf, acc, sem_g):
    c = lax.axis_index("c")
    s = lax.axis_index("s")
    zeros16 = jnp.zeros((16,), jnp.float32)

    def zero(r, _):
        for cc in range(8):
            buf[r, pl.ds(cc * 16, 16)] = zeros16
        return 0

    lax.fori_loop(0, 128, zero, 0)
    base = s * STRIPE
    for k in range(STRIPE // 128):
        pltpu.sync_copy(buf, acc.at[pl.ds(base + k * 128, 128)])
    rem = STRIPE % 128
    pltpu.sync_copy(buf.at[pl.ds(0, rem)], acc.at[pl.ds(base + STRIPE - rem, rem)])

    start = pl.multiple_of((c * NS + s) * CHT, 8)
    pltpu.sync_copy(src_hbm.at[pl.ds(start, CHT)], src_v)
    pltpu.sync_copy(dst_hbm.at[pl.ds(start, CHT)], dst_v)
    plsc.subcore_barrier()

    def step(j, _):
        pltpu.async_copy(g_hbm.at[src_v.at[j]], buf, sem_g).wait()
        pltpu.sync_copy(buf, acc.at[dst_v.at[j]], add=True)
        return 0

    lax.fori_loop(0, CHT, step, 0)
    plsc.subcore_barrier()
    pltpu.sync_copy(acc.at[pl.ds(base, STRIPE)], out_hbm.at[c, pl.ds(base, STRIPE)])
    plsc.subcore_barrier()


_agg_call = pl.kernel(
    _agg_body,
    out_type=jax.ShapeDtypeStruct((NC, N_PAD, D), jnp.float32),
    mesh=_MESH,
    scratch_types=[
        pltpu.VMEM((CHT, 128), jnp.int32),
        pltpu.VMEM((CHT, 128), jnp.int32),
        pltpu.VMEM((128, D), jnp.float32),
        pltpu.VMEM_SHARED((N_PAD, D), jnp.float32),
        pltpu.SemaphoreType.DMA,
    ],
)


def _bn_body(p_ref, g_ref, dinv_ref, b_ref, gamma_ref, beta_ref, y_ref):
    t = dinv_ref[...] * (p_ref[0] + p_ref[1] + g_ref[...]) + b_ref[...]
    row = lax.broadcasted_iota(jnp.int32, (N_PAD, 1), 0)
    tm = jnp.where(row < N, t, 0.0)
    s1 = jnp.sum(tm, axis=0, keepdims=True)
    s2 = jnp.sum(tm * tm, axis=0, keepdims=True)
    mean = s1 * (1.0 / N)
    var = s2 * (1.0 / N) - mean * mean
    inv = lax.rsqrt(var + 1e-5)
    y = (t[:N] - mean) * inv * gamma_ref[...] + beta_ref[...]
    y_ref[...] = jnp.where(y > 0, y, ALPHA * y)


def _bn_call(p, g, dinv, b, gamma, beta):
    return pl.pallas_call(
        _bn_body,
        out_shape=jax.ShapeDtypeStruct((N, D), jnp.float32),
    )(p, g, dinv, b, gamma, beta)


@jax.jit
def kernel(x, edge_idx, W, b, gamma, beta):
    src = edge_idx[0].astype(jnp.int32)
    dst = edge_idx[1].astype(jnp.int32)
    pad = N + jnp.arange(E_PAD - E, dtype=jnp.int32) % (N_PAD - N)
    src_ch = jnp.concatenate([src, pad]).reshape(N_CHUNK, 128)
    dst_ch = jnp.concatenate([dst, pad]).reshape(N_CHUNK, 128)

    deg = _deg_call(dst_ch.reshape(NW, CH, 128))
    g, dinv = _mm_call(x, W, deg)
    p = _agg_call(g, src_ch, dst_ch)
    return _bn_call(p, g, dinv, b.reshape(1, D), gamma.reshape(1, D), beta.reshape(1, D))

# --- scband reference (transcript-rebuilt; emitter-appended) ---
"""Pipeline reference for scband-gcnlayer-10943576670983 (READ-ONLY COPY).

The authoritative reference and input builder live on the scoring server;
editing this copy changes nothing except your own understanding.
"""

import jax, jax.numpy as jnp
import numpy as np

N_NODES = 10000
N_EDGES = 320000
D_IN = 128
D_OUT = 128
ALPHA = 0.2


def setup_inputs(seed: int = 0) -> dict:
    key = jax.random.key(seed)
    k1, k2, k3, k4, k5, k6 = jax.random.split(key, 6)
    x = jax.random.normal(k1, (N_NODES, D_IN), dtype=jnp.float32)
    edge_idx = jax.random.randint(k2, (2, N_EDGES), 0, N_NODES, dtype=jnp.int64)
    # GCNConv linear weight (glorot-ish) and bias
    W = jax.random.normal(k3, (D_IN, D_OUT), dtype=jnp.float32) * (1.0 / np.sqrt(D_IN))
    b = jnp.zeros((D_OUT,), dtype=jnp.float32)
    # BatchNorm1d affine params
    gamma = jnp.ones((D_OUT,), dtype=jnp.float32)
    beta = jnp.zeros((D_OUT,), dtype=jnp.float32)
    return {"x": x, "edge_idx": edge_idx, "W": W, "b": b, "gamma": gamma, "beta": beta}


def reference(x, edge_idx, W, b, gamma, beta):
    N = x.shape[0]
    # --- GCNConv (PyG semantics): add self-loops, symmetric norm, linear, aggregate ---
    loop = jnp.arange(N, dtype=edge_idx.dtype)
    src = jnp.concatenate([edge_idx[0], loop])
    dst = jnp.concatenate([edge_idx[1], loop])
    h = x @ W
    ones = jnp.ones(src.shape[0], dtype=h.dtype)
    deg = jnp.zeros((N,), dtype=h.dtype).at[dst].add(ones)
    dinv = jnp.where(deg > 0, 1.0 / jnp.sqrt(deg), 0.0)
    norm = dinv[src] * dinv[dst]
    msgs = norm[:, None] * h[src]
    out = jnp.zeros((N, h.shape[1]), dtype=h.dtype).at[dst].add(msgs)
    out = out + b
    # --- BatchNorm1d (training mode: batch statistics, biased variance) ---
    mean = jnp.mean(out, axis=0)
    var = jnp.mean((out - mean) ** 2, axis=0)
    y = (out - mean) / jnp.sqrt(var + 1e-5) * gamma + beta
    # --- LeakyReLU(alpha) ---
    return jnp.where(y > 0, y, ALPHA * y)


if False:  # reference __main__ guard neutralized (emitter)
    inp = setup_inputs()
    o = reference(**inp)
    print(o.shape, o.dtype)

if __name__ == "__main__":
    import jax
    _d = setup_inputs()
    print(jax.jit(kernel)(*tuple(_d.values())))

</pallas_src>

<mosaic_0001>
#map = affine_map<(d0, d1) -> (0, 0)>
#map1 = affine_map<(d0, d1) -> (0, 0, 0)>
module attributes {stable_mosaic.version = 14 : i64} {
  func.func @_agg_body(%arg0: i32, %arg1: i32, %arg2: memref<10112x128xf32, #tpu.memory_space<hbm>>, %arg3: memref<2560x128xi32, #tpu.memory_space<hbm>>, %arg4: memref<2560x128xi32, #tpu.memory_space<hbm>>, %arg5: memref<2x10112x128xf32, #tpu.memory_space<hbm>>, %arg6: memref<80x128xi32, #tpu.memory_space<vmem>>, %arg7: memref<80x128xi32, #tpu.memory_space<vmem>>, %arg8: memref<128x128xf32, #tpu.memory_space<vmem>>, %arg9: memref<10112x128xf32, #tpu.memory_space<vmem_shared>>, %arg10: memref<!tpu.dma_semaphore, #tpu.memory_space<semaphore_mem>>) attributes {dimension_semantics = [#tpu.dimension_semantics<core_parallel>, #tpu.dimension_semantics<subcore_parallel>], iteration_bounds = array<i64: 2, 16>, scalar_prefetch = 0 : i64, scratch_operands = 5 : i64, tpu.core_type = #tpu.core_type<sc_vector_subcore>, window_params = [{transform_indices = #map}, {transform_indices = #map}, {transform_indices = #map}, {transform_indices = #map1}]} {
    %broadcast_in_dim3A = arith.constant 0.000000e+00 : f32
    %broadcast_in_dim3A_0 = vector.broadcast %broadcast_in_dim3A : f32 to vector<16xf32>
    %scan3A = arith.constant 0 : i32
    %scan3A_1 = arith.constant 0 : i32
    %scan3A_2 = arith.constant 128 : i32
    %scan3A_3 = arith.addi %scan3A_1, %scan3A_2 : i32
    %scan3A_4 = arith.constant 1 : i32
    %scan3A_5 = scf.for %scan3A_32 = %scan3A_1 to %scan3A_3 step %scan3A_4 iter_args(%scan3A_33 = %scan3A) -> (i32)  : i32 {
      %swap3A = arith.index_cast %scan3A_32 : i32 to index
      %swap3A_34 = arith.constant 0 : index
      %swap3A_35 = tpu.vector_load %arg8[%swap3A, %swap3A_34] {strides = array<i32>} : memref<128x128xf32, #tpu.memory_space<vmem>>, vector<1x16xf32>,
      %swap3A_36 = vector.shape_cast %swap3A_35 : vector<1x16xf32> to vector<16xf32>
      %swap3A_37 = vector.shape_cast %broadcast_in_dim3A_0 : vector<16xf32> to vector<1x16xf32>
      tpu.vector_store %arg8[%swap3A, %swap3A_34], %swap3A_37 {strides = array<i32>} : memref<128x128xf32, #tpu.memory_space<vmem>>, vector<1x16xf32>,
      %swap3A_38 = arith.index_cast %scan3A_32 : i32 to index
      %swap3A_39 = arith.constant 16 : index
      %swap3A_40 = tpu.vector_load %arg8[%swap3A_38, %swap3A_39] {strides = array<i32>} : memref<128x128xf32, #tpu.memory_space<vmem>>, vector<1x16xf32>,
      %swap3A_41 = vector.shape_cast %swap3A_40 : vector<1x16xf32> to vector<16xf32>
      %swap3A_42 = vector.shape_cast %broadcast_in_dim3A_0 : vector<16xf32> to vector<1x16xf32>
      tpu.vector_store %arg8[%swap3A_38, %swap3A_39], %swap3A_42 {strides = array<i32>} : memref<128x128xf32, #tpu.memory_space<vmem>>, vector<1x16xf32>,
      %swap3A_43 = arith.index_cast %scan3A_32 : i32 to index
      %swap3A_44 = arith.constant 32 : index
      %swap3A_45 = tpu.vector_load %arg8[%swap3A_43, %swap3A_44] {strides = array<i32>} : memref<128x128xf32, #tpu.memory_space<vmem>>, vector<1x16xf32>,
      %swap3A_46 = vector.shape_cast %swap3A_45 : vector<1x16xf32> to vector<16xf32>
      %swap3A_47 = vector.shape_cast %broadcast_in_dim3A_0 : vector<16xf32> to vector<1x16xf32>
      tpu.vector_store %arg8[%swap3A_43, %swap3A_44], %swap3A_47 {strides = array<i32>} : memref<128x128xf32, #tpu.memory_space<vmem>>, vector<1x16xf32>,
      %swap3A_48 = arith.index_cast %scan3A_32 : i32 to index
      %swap3A_49 = arith.constant 48 : index
      %swap3A_50 = tpu.vector_load %arg8[%swap3A_48, %swap3A_49] {strides = array<i32>} : memref<128x128xf32, #tpu.memory_space<vmem>>, vector<1x16xf32>,
      %swap3A_51 = vector.shape_cast %swap3A_50 : vector<1x16xf32> to vector<16xf32>
      %swap3A_52 = vector.shape_cast %broadcast_in_dim3A_0 : vector<16xf32> to vector<1x16xf32>
      tpu.vector_store %arg8[%swap3A_48, %swap3A_49], %swap3A_52 {strides = array<i32>} : memref<128x128xf32, #tpu.memory_space<vmem>>, vector<1x16xf32>,
      %swap3A_53 = arith.index_cast %scan3A_32 : i32 to index
      %swap3A_54 = arith.constant 64 : index
      %swap3A_55 = tpu.vector_load %arg8[%swap3A_53, %swap3A_54] {strides = array<i32>} : memref<128x128xf32, #tpu.memory_space<vmem>>, vector<1x16xf32>,
      %swap3A_56 = vector.shape_cast %swap3A_55 : vector<1x16xf32> to vector<16xf32>
      %swap3A_57 = vector.shape_cast %broadcast_in_dim3A_0 : vector<16xf32> to vector<1x16xf32>
      tpu.vector_store %arg8[%swap3A_53, %swap3A_54], %swap3A_57 {strides = array<i32>} : memref<128x128xf32, #tpu.memory_space<vmem>>, vector<1x16xf32>,
      %swap3A_58 = arith.index_cast %scan3A_32 : i32 to index
      %swap3A_59 = arith.constant 80 : index
      %swap3A_60 = tpu.vector_load %arg8[%swap3A_58, %swap3A_59] {strides = array<i32>} : memref<128x128xf32, #tpu.memory_space<vmem>>, vector<1x16xf32>,
      %swap3A_61 = vector.shape_cast %swap3A_60 : vector<1x16xf32> to vector<16xf32>
      %swap3A_62 = vector.shape_cast %broadcast_in_dim3A_0 : vector<16xf32> to vector<1x16xf32>
      tpu.vector_store %arg8[%swap3A_58, %swap3A_59], %swap3A_62 {strides = array<i32>} : memref<128x128xf32, #tpu.memory_space<vmem>>, vector<1x16xf32>,
      %swap3A_63 = arith.index_cast %scan3A_32 : i32 to index
      %swap3A_64 = arith.constant 96 : index
      %swap3A_65 = tpu.vector_load %arg8[%swap3A_63, %swap3A_64] {strides = array<i32>} : memref<128x128xf32, #tpu.memory_space<vmem>>, vector<1x16xf32>,
      %swap3A_66 = vector.shape_cast %swap3A_65 : vector<1x16xf32> to vector<16xf32>
      %swap3A_67 = vector.shape_cast %broadcast_in_dim3A_0 : vector<16xf32> to vector<1x16xf32>
      tpu.vector_store %arg8[%swap3A_63, %swap3A_64], %swap3A_67 {strides = array<i32>} : memref<128x128xf32, #tpu.memory_space<vmem>>, vector<1x16xf32>,
      %swap3A_68 = arith.index_cast %scan3A_32 : i32 to index
      %swap3A_69 = arith.constant 112 : index
      %swap3A_70 = tpu.vector_load %arg8[%swap3A_68, %swap3A_69] {strides = array<i32>} : memref<128x128xf32, #tpu.memory_space<vmem>>, vector<1x16xf32>,
      %swap3A_71 = vector.shape_cast %swap3A_70 : vector<1x16xf32> to vector<16xf32>
      %swap3A_72 = vector.shape_cast %broadcast_in_dim3A_0 : vector<16xf32> to vector<1x16xf32>
      tpu.vector_store %arg8[%swap3A_68, %swap3A_69], %swap3A_72 {strides = array<i32>} : memref<128x128xf32, #tpu.memory_space<vmem>>, vector<1x16xf32>,
      %scan3A_73 = arith.constant 0 : i32
      scf.yield %scan3A_73 : i32
    }
    %scan3A_6 = arith.constant 128 : i32
    %mul3A = arith.constant 632 : i32
    %mul3A_7 = arith.muli %arg1, %mul3A : i32
    %add3A = arith.constant 0 : i32
    %add3A_8 = arith.addi %mul3A_7, %add3A : i32
    "tpu.region"() ({
      %run_scoped3A = tpu.sem_alloc : memref<!tpu.dma_semaphore, #tpu.memory_space<semaphore_mem>>
      %dma_start3A = arith.constant 0 : i32
      %dma_start3A_32 = tpu.memref_slice %arg9[%add3A_8, %dma_start3A] : memref<10112x128xf32, #tpu.memory_space<vmem_shared>> -> memref<128x128xf32, #tpu.memory_space<vmem_shared>>
      %dma_start3A_33 = arith.constant 0 : i32
      %dma_start3A_34 = tpu.memref_slice %arg9[%add3A_8, %dma_start3A_33] : memref<10112x128xf32, #tpu.memory_space<vmem_shared>> -> memref<128x128xf32, #tpu.memory_space<vmem_shared>>
      tpu.enqueue_dma source(%arg8 : memref<128x128xf32, #tpu.memory_space<vmem>>) target(%dma_start3A_34 : memref<128x128xf32, #tpu.memory_space<vmem_shared>>) target_semaphore(%run_scoped3A : memref<!tpu.dma_semaphore, #tpu.memory_space<semaphore_mem>>)
      %dma_wait3A = arith.constant 0 : i32
      %dma_wait3A_35 = tpu.memref_slice %arg9[%add3A_8, %dma_wait3A] : memref<10112x128xf32, #tpu.memory_space<vmem_shared>> -> memref<128x128xf32, #tpu.memory_space<vmem_shared>>
      %dma_wait3A_36 = arith.constant 0 : i32
      %dma_wait3A_37 = tpu.memref_slice %arg9[%add3A_8, %dma_wait3A_36] : memref<10112x128xf32, #tpu.memory_space<vmem_shared>> -> memref<128x128xf32, #tpu.memory_space<vmem_shared>>
      tpu.wait_dma2 semaphore(%run_scoped3A : memref<!tpu.dma_semaphore, #tpu.memory_space<semaphore_mem>>) src(%arg8 : memref<128x128xf32, #tpu.memory_space<vmem>>) dst(%dma_wait3A_37 : memref<128x128xf32, #tpu.memory_space<vmem_shared>>)
      tpu.yield
    }) : () -> ()
    %add3A_9 = arith.constant 128 : i32
    %add3A_10 = arith.addi %mul3A_7, %add3A_9 : i32
    "tpu.region"() ({
      %run_scoped3A = tpu.sem_alloc : memref<!tpu.dma_semaphore, #tpu.memory_space<semaphore_mem>>
      %dma_start3A = arith.constant 0 : i32
      %dma_start3A_32 = tpu.memref_slice %arg9[%add3A_10, %dma_start3A] : memref<10112x128xf32, #tpu.memory_space<vmem_shared>> -> memref<128x128xf32, #tpu.memory_space<vmem_shared>>
      %dma_start3A_33 = arith.constant 0 : i32
      %dma_start3A_34 = tpu.memref_slice %arg9[%add3A_10, %dma_start3A_33] : memref<10112x128xf32, #tpu.memory_space<vmem_shared>> -> memref<128x128xf32, #tpu.memory_space<vmem_shared>>
      tpu.enqueue_dma source(%arg8 : memref<128x128xf32, #tpu.memory_space<vmem>>) target(%dma_start3A_34 : memref<128x128xf32, #tpu.memory_space<vmem_shared>>) target_semaphore(%run_scoped3A : memref<!tpu.dma_semaphore, #tpu.memory_space<semaphore_mem>>)
      %dma_wait3A = arith.constant 0 : i32
      %dma_wait3A_35 = tpu.memref_slice %arg9[%add3A_10, %dma_wait3A] : memref<10112x128xf32, #tpu.memory_space<vmem_shared>> -> memref<128x128xf32, #tpu.memory_space<vmem_shared>>
      %dma_wait3A_36 = arith.constant 0 : i32
      %dma_wait3A_37 = tpu.memref_slice %arg9[%add3A_10, %dma_wait3A_36] : memref<10112x128xf32, #tpu.memory_space<vmem_shared>> -> memref<128x128xf32, #tpu.memory_space<vmem_shared>>
      tpu.wait_dma2 semaphore(%run_scoped3A : memref<!tpu.dma_semaphore, #tpu.memory_space<semaphore_mem>>) src(%arg8 : memref<128x128xf32, #tpu.memory_space<vmem>>) dst(%dma_wait3A_37 : memref<128x128xf32, #tpu.memory_space<vmem_shared>>)
      tpu.yield
    }) : () -> ()
    %add3A_11 = arith.constant 256 : i32
    %add3A_12 = arith.addi %mul3A_7, %add3A_11 : i32
    "tpu.region"() ({
      %run_scoped3A = tpu.sem_alloc : memref<!tpu.dma_semaphore, #tpu.memory_space<semaphore_mem>>
      %dma_start3A = arith.constant 0 : i32
      %dma_start3A_32 = tpu.memref_slice %arg9[%add3A_12, %dma_start3A] : memref<10112x128xf32, #tpu.memory_space<vmem_shared>> -> memref<128x128xf32, #tpu.memory_space<vmem_shared>>
      %dma_start3A_33 = arith.constant 0 : i32
      %dma_start3A_34 = tpu.memref_slice %arg9[%add3A_12, %dma_start3A_33] : memref<10112x128xf32, #tpu.memory_space<vmem_shared>> -> memref<128x128xf32, #tpu.memory_space<vmem_shared>>
      tpu.enqueue_dma source(%arg8 : memref<128x128xf32, #tpu.memory_space<vmem>>) target(%dma_start3A_34 : memref<128x128xf32, #tpu.memory_space<vmem_shared>>) target_semaphore(%run_scoped3A : memref<!tpu.dma_semaphore, #tpu.memory_space<semaphore_mem>>)
      %dma_wait3A = arith.constant 0 : i32
      %dma_wait3A_35 = tpu.memref_slice %arg9[%add3A_12, %dma_wait3A] : memref<10112x128xf32, #tpu.memory_space<vmem_shared>> -> memref<128x128xf32, #tpu.memory_space<vmem_shared>>
      %dma_wait3A_36 = arith.constant 0 : i32
      %dma_wait3A_37 = tpu.memref_slice %arg9[%add3A_12, %dma_wait3A_36] : memref<10112x128xf32, #tpu.memory_space<vmem_shared>> -> memref<128x128xf32, #tpu.memory_space<vmem_shared>>
      tpu.wait_dma2 semaphore(%run_scoped3A : memref<!tpu.dma_semaphore, #tpu.memory_space<semaphore_mem>>) src(%arg8 : memref<128x128xf32, #tpu.memory_space<vmem>>) dst(%dma_wait3A_37 : memref<128x128xf32, #tpu.memory_space<vmem_shared>>)
      tpu.yield
    }) : () -> ()
    %add3A_13 = arith.constant 384 : i32
    %add3A_14 = arith.addi %mul3A_7, %add3A_13 : i32
    "tpu.region"() ({
      %run_scoped3A = tpu.sem_alloc : memref<!tpu.dma_semaphore, #tpu.memory_space<semaphore_mem>>
      %dma_start3A = arith.constant 0 : i32
      %dma_start3A_32 = tpu.memref_slice %arg9[%add3A_14, %dma_start3A] : memref<10112x128xf32, #tpu.memory_space<vmem_shared>> -> memref<128x128xf32, #tpu.memory_space<vmem_shared>>
      %dma_start3A_33 = arith.constant 0 : i32
      %dma_start3A_34 = tpu.memref_slice %arg9[%add3A_14, %dma_start3A_33] : memref<10112x128xf32, #tpu.memory_space<vmem_shared>> -> memref<128x128xf32, #tpu.memory_space<vmem_shared>>
      tpu.enqueue_dma source(%arg8 : memref<128x128xf32, #tpu.memory_space<vmem>>) target(%dma_start3A_34 : memref<128x128xf32, #tpu.memory_space<vmem_shared>>) target_semaphore(%run_scoped3A : memref<!tpu.dma_semaphore, #tpu.memory_space<semaphore_mem>>)
      %dma_wait3A = arith.constant 0 : i32
      %dma_wait3A_35 = tpu.memref_slice %arg9[%add3A_14, %dma_wait3A] : memref<10112x128xf32, #tpu.memory_space<vmem_shared>> -> memref<128x128xf32, #tpu.memory_space<vmem_shared>>
      %dma_wait3A_36 = arith.constant 0 : i32
      %dma_wait3A_37 = tpu.memref_slice %arg9[%add3A_14, %dma_wait3A_36] : memref<10112x128xf32, #tpu.memory_space<vmem_shared>> -> memref<128x128xf32, #tpu.memory_space<vmem_shared>>
      tpu.wait_dma2 semaphore(%run_scoped3A : memref<!tpu.dma_semaphore, #tpu.memory_space<semaphore_mem>>) src(%arg8 : memref<128x128xf32, #tpu.memory_space<vmem>>) dst(%dma_wait3A_37 : memref<128x128xf32, #tpu.memory_space<vmem_shared>>)
      tpu.yield
    }) : () -> ()
    %add3A_15 = arith.constant 632 : i32
    %add3A_16 = arith.addi %mul3A_7, %add3A_15 : i32
    %sub3A = arith.constant 120 : i32
    %sub3A_17 = arith.subi %add3A_16, %sub3A : i32
    "tpu.region"() ({
      %run_scoped3A = tpu.sem_alloc : memref<!tpu.dma_semaphore, #tpu.memory_space<semaphore_mem>>
      %dma_start3A = arith.constant 0 : i32
      %dma_start3A_32 = arith.constant 0 : i32
      %dma_start3A_33 = tpu.memref_slice %arg8[%dma_start3A, %dma_start3A_32] : memref<128x128xf32, #tpu.memory_space<vmem>> -> memref<120x128xf32, #tpu.memory_space<vmem>>
      %dma_start3A_34 = arith.constant 0 : i32
      %dma_start3A_35 = tpu.memref_slice %arg9[%sub3A_17, %dma_start3A_34] : memref<10112x128xf32, #tpu.memory_space<vmem_shared>> -> memref<120x128xf32, #tpu.memory_space<vmem_shared>>
      %dma_start3A_36 = arith.constant 0 : i32
      %dma_start3A_37 = tpu.memref_slice %arg9[%sub3A_17, %dma_start3A_36] : memref<10112x128xf32, #tpu.memory_space<vmem_shared>> -> memref<120x128xf32, #tpu.memory_space<vmem_shared>>
      %dma_start3A_38 = arith.constant 0 : i32
      %dma_start3A_39 = arith.constant 0 : i32
      %dma_start3A_40 = tpu.memref_slice %arg8[%dma_start3A_38, %dma_start3A_39] : memref<128x128xf32, #tpu.memory_space<vmem>> -> memref<120x128xf32, #tpu.memory_space<vmem>>
      tpu.enqueue_dma source(%dma_start3A_40 : memref<120x128xf32, #tpu.memory_space<vmem>>) target(%dma_start3A_37 : memref<120x128xf32, #tpu.memory_space<vmem_shared>>) target_semaphore(%run_scoped3A : memref<!tpu.dma_semaphore, #tpu.memory_space<semaphore_mem>>)
      %dma_wait3A = arith.constant 0 : i32
      %dma_wait3A_41 = arith.constant 0 : i32
      %dma_wait3A_42 = tpu.memref_slice %arg8[%dma_wait3A, %dma_wait3A_41] : memref<128x128xf32, #tpu.memory_space<vmem>> -> memref<120x128xf32, #tpu.memory_space<vmem>>
      %dma_wait3A_43 = arith.constant 0 : i32
      %dma_wait3A_44 = tpu.memref_slice %arg9[%sub3A_17, %dma_wait3A_43] : memref<10112x128xf32, #tpu.memory_space<vmem_shared>> -> memref<120x128xf32, #tpu.memory_space<vmem_shared>>
      %dma_wait3A_45 = arith.constant 0 : i32
      %dma_wait3A_46 = tpu.memref_slice %arg9[%sub3A_17, %dma_wait3A_45] : memref<10112x128xf32, #tpu.memory_space<vmem_shared>> -> memref<120x128xf32, #tpu.memory_space<vmem_shared>>
      %dma_wait3A_47 = arith.constant 0 : i32
      %dma_wait3A_48 = arith.constant 0 : i32
      %dma_wait3A_49 = tpu.memref_slice %arg8[%dma_wait3A_47, %dma_wait3A_48] : memref<128x128xf32, #tpu.memory_space<vmem>> -> memref<120x128xf32, #tpu.memory_space<vmem>>
      tpu.wait_dma2 semaphore(%run_scoped3A : memref<!tpu.dma_semaphore, #tpu.memory_space<semaphore_mem>>) src(%dma_wait3A_49 : memref<120x128xf32, #tpu.memory_space<vmem>>) dst(%dma_wait3A_46 : memref<120x128xf32, #tpu.memory_space<vmem_shared>>)
      tpu.yield
    }) : () -> ()
    %mul3A_18 = arith.constant 16 : i32
    %mul3A_19 = arith.muli %arg0, %mul3A_18 : i32
    %add3A_20 = arith.addi %mul3A_19, %arg1 : i32
    %mul3A_21 = arith.constant 80 : i32
    %mul3A_22 = arith.muli %add3A_20, %mul3A_21 : i32
    %multiple_of3A = tpu.assume_multiple %mul3A_22, 8 : i32
    "tpu.region"() ({
      %run_scoped3A = tpu.sem_alloc : memref<!tpu.dma_semaphore, #tpu.memory_space<semaphore_mem>>
      %dma_start3A = arith.constant 0 : i32
      %dma_start3A_32 = tpu.memref_slice %arg3[%multiple_of3A, %dma_start3A] : memref<2560x128xi32, #tpu.memory_space<hbm>> -> memref<80x128xi32, #tpu.memory_space<hbm>>
      %dma_start3A_33 = arith.constant 0 : i32
      %dma_start3A_34 = tpu.memref_slice %arg3[%multiple_of3A, %dma_start3A_33] : memref<2560x128xi32, #tpu.memory_space<hbm>> -> memref<80x128xi32, #tpu.memory_space<hbm>>
      tpu.enqueue_dma source(%dma_start3A_34 : memref<80x128xi32, #tpu.memory_space<hbm>>) target(%arg6 : memref<80x128xi32, #tpu.memory_space<vmem>>) target_semaphore(%run_scoped3A : memref<!tpu.dma_semaphore, #tpu.memory_space<semaphore_mem>>)
      %dma_wait3A = arith.constant 0 : i32
      %dma_wait3A_35 = tpu.memref_slice %arg3[%multiple_of3A, %dma_wait3A] : memref<2560x128xi32, #tpu.memory_space<hbm>> -> memref<80x128xi32, #tpu.memory_space<hbm>>
      %dma_wait3A_36 = arith.constant 0 : i32
      %dma_wait3A_37 = tpu.memref_slice %arg3[%multiple_of3A, %dma_wait3A_36] : memref<2560x128xi32, #tpu.memory_space<hbm>> -> memref<80x128xi32, #tpu.memory_space<hbm>>
      tpu.wait_dma2 semaphore(%run_scoped3A : memref<!tpu.dma_semaphore, #tpu.memory_space<semaphore_mem>>) src(%dma_wait3A_37 : memref<80x128xi32, #tpu.memory_space<hbm>>) dst(%arg6 : memref<80x128xi32, #tpu.memory_space<vmem>>)
      tpu.yield
    }) : () -> ()
    "tpu.region"() ({
      %run_scoped3A = tpu.sem_alloc : memref<!tpu.dma_semaphore, #tpu.memory_space<semaphore_mem>>
      %dma_start3A = arith.constant 0 : i32
      %dma_start3A_32 = tpu.memref_slice %arg4[%multiple_of3A, %dma_start3A] : memref<2560x128xi32, #tpu.memory_space<hbm>> -> memref<80x128xi32, #tpu.memory_space<hbm>>
      %dma_start3A_33 = arith.constant 0 : i32
      %dma_start3A_34 = tpu.memref_slice %arg4[%multiple_of3A, %dma_start3A_33] : memref<2560x128xi32, #tpu.memory_space<hbm>> -> memref<80x128xi32, #tpu.memory_space<hbm>>
      tpu.enqueue_dma source(%dma_start3A_34 : memref<80x128xi32, #tpu.memory_space<hbm>>) target(%arg7 : memref<80x128xi32, #tpu.memory_space<vmem>>) target_semaphore(%run_scoped3A : memref<!tpu.dma_semaphore, #tpu.memory_space<semaphore_mem>>)
      %dma_wait3A = arith.constant 0 : i32
      %dma_wait3A_35 = tpu.memref_slice %arg4[%multiple_of3A, %dma_wait3A] : memref<2560x128xi32, #tpu.memory_space<hbm>> -> memref<80x128xi32, #tpu.memory_space<hbm>>
      %dma_wait3A_36 = arith.constant 0 : i32
      %dma_wait3A_37 = tpu.memref_slice %arg4[%multiple_of3A, %dma_wait3A_36] : memref<2560x128xi32, #tpu.memory_space<hbm>> -> memref<80x128xi32, #tpu.memory_space<hbm>>
      tpu.wait_dma2 semaphore(%run_scoped3A : memref<!tpu.dma_semaphore, #tpu.memory_space<semaphore_mem>>) src(%dma_wait3A_37 : memref<80x128xi32, #tpu.memory_space<hbm>>) dst(%arg7 : memref<80x128xi32, #tpu.memory_space<vmem>>)
      tpu.yield
    }) : () -> ()
    %barrier3A = arith.constant 0 : index
    tpu.barrier barrier_id(%barrier3A)
    %scan3A_23 = arith.constant 0 : i32
    %scan3A_24 = arith.constant 0 : i32
    %scan3A_25 = arith.constant 80 : i32
    %scan3A_26 = arith.addi %scan3A_24, %scan3A_25 : i32
    %scan3A_27 = arith.constant 1 : i32
    %scan3A_28 = scf.for %scan3A_32 = %scan3A_24 to %scan3A_26 step %scan3A_27 iter_args(%scan3A_33 = %scan3A_23) -> (i32)  : i32 {
      %dma_start3A = arith.constant 0 : i32
      %dma_start3A_34 = tpu.memref_slice %arg6[%scan3A_32, %dma_start3A] : memref<80x128xi32, #tpu.memory_space<vmem>> -> memref<1x128xi32, #tpu.memory_space<vmem>>
      %dma_start3A_35 = tpu.memref_squeeze %dma_start3A_34 : memref<1x128xi32, #tpu.memory_space<vmem>> -> memref<128xi32, #tpu.memory_space<vmem>>
      %dma_start3A_36 = arith.constant 0 : i32
      %dma_start3A_37 = arith.constant 0 : i32
      %dma_start3A_38 = tpu.memref_slice %arg2[%dma_start3A_36, %dma_start3A_37] : memref<10112x128xf32, #tpu.memory_space<hbm>> -> memref<10112x128xf32, #tpu.memory_space<hbm>>
      tpu.enqueue_indirect_dma source(%dma_start3A_38 : memref<10112x128xf32, #tpu.memory_space<hbm>>) target(%arg8 : memref<128x128xf32, #tpu.memory_space<vmem>>) offsets(%dma_start3A_35 : memref<128xi32, #tpu.memory_space<vmem>>) semaphore(%arg10 : memref<!tpu.dma_semaphore, #tpu.memory_space<semaphore_mem>>)
      %dma_wait3A = arith.constant 0 : i32
      %dma_wait3A_39 = tpu.memref_slice %arg6[%scan3A_32, %dma_wait3A] : memref<80x128xi32, #tpu.memory_space<vmem>> -> memref<1x128xi32, #tpu.memory_space<vmem>>
      %dma_wait3A_40 = tpu.memref_squeeze %dma_wait3A_39 : memref<1x128xi32, #tpu.memory_space<vmem>> -> memref<128xi32, #tpu.memory_space<vmem>>
      %dma_wait3A_41 = arith.constant 0 : i32
      %dma_wait3A_42 = arith.constant 0 : i32
      %dma_wait3A_43 = tpu.memref_slice %arg2[%dma_wait3A_41, %dma_wait3A_42] : memref<10112x128xf32, #tpu.memory_space<hbm>> -> memref<10112x128xf32, #tpu.memory_space<hbm>>
      tpu.wait_indirect_dma semaphore(%arg10 : memref<!tpu.dma_semaphore, #tpu.memory_space<semaphore_mem>>) src(%dma_wait3A_43 : memref<10112x128xf32, #tpu.memory_space<hbm>>) dst(%arg8 : memref<128x128xf32, #tpu.memory_space<vmem>>)
      "tpu.region"() ({
        %run_scoped3A = tpu.sem_alloc : memref<!tpu.dma_semaphore, #tpu.memory_space<semaphore_mem>>
        %dma_start3A_45 = arith.constant 0 : i32
        %dma_start3A_46 = tpu.memref_slice %arg7[%scan3A_32, %dma_start3A_45] : memref<80x128xi32, #tpu.memory_space<vmem>> -> memref<1x128xi32, #tpu.memory_space<vmem>>
        %dma_start3A_47 = tpu.memref_squeeze %dma_start3A_46 : memref<1x128xi32, #tpu.memory_space<vmem>> -> memref<128xi32, #tpu.memory_space<vmem>>
        %dma_start3A_48 = arith.constant 0 : i32
        %dma_start3A_49 = arith.constant 0 : i32
        %dma_start3A_50 = tpu.memref_slice %arg9[%dma_start3A_48, %dma_start3A_49] : memref<10112x128xf32, #tpu.memory_space<vmem_shared>> -> memref<10112x128xf32, #tpu.memory_space<vmem_shared>>
        tpu.enqueue_indirect_dma source(%arg8 : memref<128x128xf32, #tpu.memory_space<vmem>>) target(%dma_start3A_50 : memref<10112x128xf32, #tpu.memory_space<vmem_shared>>) offsets(%dma_start3A_47 : memref<128xi32, #tpu.memory_space<vmem>>) semaphore(%run_scoped3A : memref<!tpu.dma_semaphore, #tpu.memory_space<semaphore_mem>>) {add = true}
        %dma_wait3A_51 = arith.constant 0 : i32
        %dma_wait3A_52 = tpu.memref_slice %arg7[%scan3A_32, %dma_wait3A_51] : memref<80x128xi32, #tpu.memory_space<vmem>> -> memref<1x128xi32, #tpu.memory_space<vmem>>
        %dma_wait3A_53 = tpu.memref_squeeze %dma_wait3A_52 : memref<1x128xi32, #tpu.memory_space<vmem>> -> memref<128xi32, #tpu.memory_space<vmem>>
        %dma_wait3A_54 = arith.constant 0 : i32
        %dma_wait3A_55 = arith.constant 0 : i32
        %dma_wait3A_56 = tpu.memref_slice %arg9[%dma_wait3A_54, %dma_wait3A_55] : memref<10112x128xf32, #tpu.memory_space<vmem_shared>> -> memref<10112x128xf32, #tpu.memory_space<vmem_shared>>
        tpu.wait_indirect_dma semaphore(%run_scoped3A : memref<!tpu.dma_semaphore, #tpu.memory_space<semaphore_mem>>) src(%arg8 : memref<128x128xf32, #tpu.memory_space<vmem>>) dst(%dma_wait3A_56 : memref<10112x128xf32, #tpu.memory_space<vmem_shared>>)
        tpu.yield
      }) : () -> ()
      %scan3A_44 = arith.constant 0 : i32
      scf.yield %scan3A_44 : i32
    }
    %scan3A_29 = arith.constant 80 : i32
    %barrier3A_30 = arith.constant 0 : index
    tpu.barrier barrier_id(%barrier3A_30)
    "tpu.region"() ({
      %run_scoped3A = tpu.sem_alloc : memref<!tpu.dma_semaphore, #tpu.memory_space<semaphore_mem>>
      %dma_start3A = arith.constant 0 : i32
      %dma_start3A_32 = tpu.memref_slice %arg5[%arg0, %mul3A_7, %dma_start3A] : memref<2x10112x128xf32, #tpu.memory_space<hbm>> -> memref<1x632x128xf32, #tpu.memory_space<hbm>>
      %dma_start3A_33 = tpu.memref_squeeze %dma_start3A_32 : memref<1x632x128xf32, #tpu.memory_space<hbm>> -> memref<632x128xf32, #tpu.memory_space<hbm>>
      %dma_start3A_34 = arith.constant 0 : i32
      %dma_start3A_35 = tpu.memref_slice %arg9[%mul3A_7, %dma_start3A_34] : memref<10112x128xf32, #tpu.memory_space<vmem_shared>> -> memref<632x128xf32, #tpu.memory_space<vmem_shared>>
      tpu.enqueue_dma source(%dma_start3A_35 : memref<632x128xf32, #tpu.memory_space<vmem_shared>>) target(%dma_start3A_33 : memref<632x128xf32, #tpu.memory_space<hbm>>) target_semaphore(%run_scoped3A : memref<!tpu.dma_semaphore, #tpu.memory_space<semaphore_mem>>)
      %dma_wait3A = arith.constant 0 : i32
      %dma_wait3A_36 = tpu.memref_slice %arg5[%arg0, %mul3A_7, %dma_wait3A] : memref<2x10112x128xf32, #tpu.memory_space<hbm>> -> memref<1x632x128xf32, #tpu.memory_space<hbm>>
      %dma_wait3A_37 = tpu.memref_squeeze %dma_wait3A_36 : memref<1x632x128xf32, #tpu.memory_space<hbm>> -> memref<632x128xf32, #tpu.memory_space<hbm>>
      %dma_wait3A_38 = arith.constant 0 : i32
      %dma_wait3A_39 = tpu.memref_slice %arg9[%mul3A_7, %dma_wait3A_38] : memref<10112x128xf32, #tpu.memory_space<vmem_shared>> -> memref<632x128xf32, #tpu.memory_space<vmem_shared>>
      tpu.wait_dma2 semaphore(%run_scoped3A : memref<!tpu.dma_semaphore, #tpu.memory_space<semaphore_mem>>) src(%dma_wait3A_39 : memref<632x128xf32, #tpu.memory_space<vmem_shared>>) dst(%dma_wait3A_37 : memref<632x128xf32, #tpu.memory_space<hbm>>)
      tpu.yield
    }) : () -> ()
    %barrier3A_31 = arith.constant 0 : index
    tpu.barrier barrier_id(%barrier3A_31)
    return
  }
}

#map = affine_map<(d0, d1) -> (0, 0, 0)>
module attributes {stable_mosaic.version = 14 : i64} {
  func.func @_deg_body(%arg0: i32, %arg1: i32, %arg2: memref<32x80x128xi32, #tpu.memory_space<hbm>>, %arg3: memref<2x10112x16xf32, #tpu.memory_space<hbm>>, %arg4: memref<80x128xi32, #tpu.memory_space<vmem>>, %arg5: memref<128x16xf32, #tpu.memory_space<vmem>>, %arg6: memref<10112x16xf32, #tpu.memory_space<vmem_shared>>) attributes {dimension_semantics = [#tpu.dimension_semantics<core_parallel>, #tpu.dimension_semantics<subcore_parallel>], iteration_bounds = array<i64: 2, 16>, scalar_prefetch = 0 : i64, scratch_operands = 3 : i64, tpu.core_type = #tpu.core_type<sc_vector_subcore>, window_params = [{transform_indices = #map}, {transform_indices = #map}]} {
    %mul3A = arith.constant 16 : i32
    %mul3A_0 = arith.muli %arg0, %mul3A : i32
    %add3A = arith.addi %mul3A_0, %arg1 : i32
    %broadcast_in_dim3A = arith.constant 0.000000e+00 : f32
    %broadcast_in_dim3A_1 = vector.broadcast %broadcast_in_dim3A : f32 to vector<16xf32>
    %scan3A = arith.constant 0 : i32
    %scan3A_2 = arith.constant 0 : i32
    %scan3A_3 = arith.constant 128 : i32
    %scan3A_4 = arith.addi %scan3A_2, %scan3A_3 : i32
    %scan3A_5 = arith.constant 1 : i32
    %scan3A_6 = scf.for %scan3A_38 = %scan3A_2 to %scan3A_4 step %scan3A_5 iter_args(%scan3A_39 = %scan3A) -> (i32)  : i32 {
      %swap3A = arith.index_cast %scan3A_38 : i32 to index
      %swap3A_40 = arith.constant 0 : index
      %swap3A_41 = tpu.vector_load %arg5[%swap3A, %swap3A_40] {strides = array<i32>} : memref<128x16xf32, #tpu.memory_space<vmem>>, vector<1x16xf32>,
      %swap3A_42 = vector.shape_cast %swap3A_41 : vector<1x16xf32> to vector<16xf32>
      %swap3A_43 = vector.shape_cast %broadcast_in_dim3A_1 : vector<16xf32> to vector<1x16xf32>
      tpu.vector_store %arg5[%swap3A, %swap3A_40], %swap3A_43 {strides = array<i32>} : memref<128x16xf32, #tpu.memory_space<vmem>>, vector<1x16xf32>,
      %scan3A_44 = arith.constant 0 : i32
      scf.yield %scan3A_44 : i32
    }
    %scan3A_7 = arith.constant 128 : i32
    %mul3A_8 = arith.constant 632 : i32
    %mul3A_9 = arith.muli %arg1, %mul3A_8 : i32
    %add3A_10 = arith.constant 0 : i32
    %add3A_11 = arith.addi %mul3A_9, %add3A_10 : i32
    "tpu.region"() ({
      %run_scoped3A = tpu.sem_alloc : memref<!tpu.dma_semaphore, #tpu.memory_space<semaphore_mem>>
      %dma_start3A = arith.constant 0 : i32
      %dma_start3A_38 = tpu.memref_slice %arg6[%add3A_11, %dma_start3A] : memref<10112x16xf32, #tpu.memory_space<vmem_shared>> -> memref<128x16xf32, #tpu.memory_space<vmem_shared>>
      %dma_start3A_39 = arith.constant 0 : i32
      %dma_start3A_40 = tpu.memref_slice %arg6[%add3A_11, %dma_start3A_39] : memref<10112x16xf32, #tpu.memory_space<vmem_shared>> -> memref<128x16xf32, #tpu.memory_space<vmem_shared>>
      tpu.enqueue_dma source(%arg5 : memref<128x16xf32, #tpu.memory_space<vmem>>) target(%dma_start3A_40 : memref<128x16xf32, #tpu.memory_space<vmem_shared>>) target_semaphore(%run_scoped3A : memref<!tpu.dma_semaphore, #tpu.memory_space<semaphore_mem>>)
      %dma_wait3A = arith.constant 0 : i32
      %dma_wait3A_41 = tpu.memref_slice %arg6[%add3A_11, %dma_wait3A] : memref<10112x16xf32, #tpu.memory_space<vmem_shared>> -> memref<128x16xf32, #tpu.memory_space<vmem_shared>>
      %dma_wait3A_42 = arith.constant 0 : i32
      %dma_wait3A_43 = tpu.memref_slice %arg6[%add3A_11, %dma_wait3A_42] : memref<10112x16xf32, #tpu.memory_space<vmem_shared>> -> memref<128x16xf32, #tpu.memory_space<vmem_shared>>
      tpu.wait_dma2 semaphore(%run_scoped3A : memref<!tpu.dma_semaphore, #tpu.memory_space<semaphore_mem>>) src(%arg5 : memref<128x16xf32, #tpu.memory_space<vmem>>) dst(%dma_wait3A_43 : memref<128x16xf32, #tpu.memory_space<vmem_shared>>)
      tpu.yield
    }) : () -> ()
    %add3A_12 = arith.constant 128 : i32
    %add3A_13 = arith.addi %mul3A_9, %add3A_12 : i32
    "tpu.region"() ({
      %run_scoped3A = tpu.sem_alloc : memref<!tpu.dma_semaphore, #tpu.memory_space<semaphore_mem>>
      %dma_start3A = arith.constant 0 : i32
      %dma_start3A_38 = tpu.memref_slice %arg6[%add3A_13, %dma_start3A] : memref<10112x16xf32, #tpu.memory_space<vmem_shared>> -> memref<128x16xf32, #tpu.memory_space<vmem_shared>>
      %dma_start3A_39 = arith.constant 0 : i32
      %dma_start3A_40 = tpu.memref_slice %arg6[%add3A_13, %dma_start3A_39] : memref<10112x16xf32, #tpu.memory_space<vmem_shared>> -> memref<128x16xf32, #tpu.memory_space<vmem_shared>>
      tpu.enqueue_dma source(%arg5 : memref<128x16xf32, #tpu.memory_space<vmem>>) target(%dma_start3A_40 : memref<128x16xf32, #tpu.memory_space<vmem_shared>>) target_semaphore(%run_scoped3A : memref<!tpu.dma_semaphore, #tpu.memory_space<semaphore_mem>>)
      %dma_wait3A = arith.constant 0 : i32
      %dma_wait3A_41 = tpu.memref_slice %arg6[%add3A_13, %dma_wait3A] : memref<10112x16xf32, #tpu.memory_space<vmem_shared>> -> memref<128x16xf32, #tpu.memory_space<vmem_shared>>
      %dma_wait3A_42 = arith.constant 0 : i32
      %dma_wait3A_43 = tpu.memref_slice %arg6[%add3A_13, %dma_wait3A_42] : memref<10112x16xf32, #tpu.memory_space<vmem_shared>> -> memref<128x16xf32, #tpu.memory_space<vmem_shared>>
      tpu.wait_dma2 semaphore(%run_scoped3A : memref<!tpu.dma_semaphore, #tpu.memory_space<semaphore_mem>>) src(%arg5 : memref<128x16xf32, #tpu.memory_space<vmem>>) dst(%dma_wait3A_43 : memref<128x16xf32, #tpu.memory_space<vmem_shared>>)
      tpu.yield
    }) : () -> ()
    %add3A_14 = arith.constant 256 : i32
    %add3A_15 = arith.addi %mul3A_9, %add3A_14 : i32
    "tpu.region"() ({
      %run_scoped3A = tpu.sem_alloc : memref<!tpu.dma_semaphore, #tpu.memory_space<semaphore_mem>>
      %dma_start3A = arith.constant 0 : i32
      %dma_start3A_38 = tpu.memref_slice %arg6[%add3A_15, %dma_start3A] : memref<10112x16xf32, #tpu.memory_space<vmem_shared>> -> memref<128x16xf32, #tpu.memory_space<vmem_shared>>
      %dma_start3A_39 = arith.constant 0 : i32
      %dma_start3A_40 = tpu.memref_slice %arg6[%add3A_15, %dma_start3A_39] : memref<10112x16xf32, #tpu.memory_space<vmem_shared>> -> memref<128x16xf32, #tpu.memory_space<vmem_shared>>
      tpu.enqueue_dma source(%arg5 : memref<128x16xf32, #tpu.memory_space<vmem>>) target(%dma_start3A_40 : memref<128x16xf32, #tpu.memory_space<vmem_shared>>) target_semaphore(%run_scoped3A : memref<!tpu.dma_semaphore, #tpu.memory_space<semaphore_mem>>)
      %dma_wait3A = arith.constant 0 : i32
      %dma_wait3A_41 = tpu.memref_slice %arg6[%add3A_15, %dma_wait3A] : memref<10112x16xf32, #tpu.memory_space<vmem_shared>> -> memref<128x16xf32, #tpu.memory_space<vmem_shared>>
      %dma_wait3A_42 = arith.constant 0 : i32
      %dma_wait3A_43 = tpu.memref_slice %arg6[%add3A_15, %dma_wait3A_42] : memref<10112x16xf32, #tpu.memory_space<vmem_shared>> -> memref<128x16xf32, #tpu.memory_space<vmem_shared>>
      tpu.wait_dma2 semaphore(%run_scoped3A : memref<!tpu.dma_semaphore, #tpu.memory_space<semaphore_mem>>) src(%arg5 : memref<128x16xf32, #tpu.memory_space<vmem>>) dst(%dma_wait3A_43 : memref<128x16xf32, #tpu.memory_space<vmem_shared>>)
      tpu.yield
    }) : () -> ()
    %add3A_16 = arith.constant 384 : i32
    %add3A_17 = arith.addi %mul3A_9, %add3A_16 : i32
    "tpu.region"() ({
      %run_scoped3A = tpu.sem_alloc : memref<!tpu.dma_semaphore, #tpu.memory_space<semaphore_mem>>
      %dma_start3A = arith.constant 0 : i32
      %dma_start3A_38 = tpu.memref_slice %arg6[%add3A_17, %dma_start3A] : memref<10112x16xf32, #tpu.memory_space<vmem_shared>> -> memref<128x16xf32, #tpu.memory_space<vmem_shared>>
      %dma_start3A_39 = arith.constant 0 : i32
      %dma_start3A_40 = tpu.memref_slice %arg6[%add3A_17, %dma_start3A_39] : memref<10112x16xf32, #tpu.memory_space<vmem_shared>> -> memref<128x16xf32, #tpu.memory_space<vmem_shared>>
      tpu.enqueue_dma source(%arg5 : memref<128x16xf32, #tpu.memory_space<vmem>>) target(%dma_start3A_40 : memref<128x16xf32, #tpu.memory_space<vmem_shared>>) target_semaphore(%run_scoped3A : memref<!tpu.dma_semaphore, #tpu.memory_space<semaphore_mem>>)
      %dma_wait3A = arith.constant 0 : i32
      %dma_wait3A_41 = tpu.memref_slice %arg6[%add3A_17, %dma_wait3A] : memref<10112x16xf32, #tpu.memory_space<vmem_shared>> -> memref<128x16xf32, #tpu.memory_space<vmem_shared>>
      %dma_wait3A_42 = arith.constant 0 : i32
      %dma_wait3A_43 = tpu.memref_slice %arg6[%add3A_17, %dma_wait3A_42] : memref<10112x16xf32, #tpu.memory_space<vmem_shared>> -> memref<128x16xf32, #tpu.memory_space<vmem_shared>>
      tpu.wait_dma2 semaphore(%run_scoped3A : memref<!tpu.dma_semaphore, #tpu.memory_space<semaphore_mem>>) src(%arg5 : memref<128x16xf32, #tpu.memory_space<vmem>>) dst(%dma_wait3A_43 : memref<128x16xf32, #tpu.memory_space<vmem_shared>>)
      tpu.yield
    }) : () -> ()
    %add3A_18 = arith.constant 632 : i32
    %add3A_19 = arith.addi %mul3A_9, %add3A_18 : i32
    %sub3A = arith.constant 120 : i32
    %sub3A_20 = arith.subi %add3A_19, %sub3A : i32
    "tpu.region"() ({
      %run_scoped3A = tpu.sem_alloc : memref<!tpu.dma_semaphore, #tpu.memory_space<semaphore_mem>>
      %dma_start3A = arith.constant 0 : i32
      %dma_start3A_38 = arith.constant 0 : i32
      %dma_start3A_39 = tpu.memref_slice %arg5[%dma_start3A, %dma_start3A_38] : memref<128x16xf32, #tpu.memory_space<vmem>> -> memref<120x16xf32, #tpu.memory_space<vmem>>
      %dma_start3A_40 = arith.constant 0 : i32
      %dma_start3A_41 = tpu.memref_slice %arg6[%sub3A_20, %dma_start3A_40] : memref<10112x16xf32, #tpu.memory_space<vmem_shared>> -> memref<120x16xf32, #tpu.memory_space<vmem_shared>>
      %dma_start3A_42 = arith.constant 0 : i32
      %dma_start3A_43 = tpu.memref_slice %arg6[%sub3A_20, %dma_start3A_42] : memref<10112x16xf32, #tpu.memory_space<vmem_shared>> -> memref<120x16xf32, #tpu.memory_space<vmem_shared>>
      %dma_start3A_44 = arith.constant 0 : i32
      %dma_start3A_45 = arith.constant 0 : i32
      %dma_start3A_46 = tpu.memref_slice %arg5[%dma_start3A_44, %dma_start3A_45] : memref<128x16xf32, #tpu.memory_space<vmem>> -> memref<120x16xf32, #tpu.memory_space<vmem>>
      tpu.enqueue_dma source(%dma_start3A_46 : memref<120x16xf32, #tpu.memory_space<vmem>>) target(%dma_start3A_43 : memref<120x16xf32, #tpu.memory_space<vmem_shared>>) target_semaphore(%run_scoped3A : memref<!tpu.dma_semaphore, #tpu.memory_space<semaphore_mem>>)
      %dma_wait3A = arith.constant 0 : i32
      %dma_wait3A_47 = arith.constant 0 : i32
      %dma_wait3A_48 = tpu.memref_slice %arg5[%dma_wait3A, %dma_wait3A_47] : memref<128x16xf32, #tpu.memory_space<vmem>> -> memref<120x16xf32, #tpu.memory_space<vmem>>
      %dma_wait3A_49 = arith.constant 0 : i32
      %dma_wait3A_50 = tpu.memref_slice %arg6[%sub3A_20, %dma_wait3A_49] : memref<10112x16xf32, #tpu.memory_space<vmem_shared>> -> memref<120x16xf32, #tpu.memory_space<vmem_shared>>
      %dma_wait3A_51 = arith.constant 0 : i32
      %dma_wait3A_52 = tpu.memref_slice %arg6[%sub3A_20, %dma_wait3A_51] : memref<10112x16xf32, #tpu.memory_space<vmem_shared>> -> memref<120x16xf32, #tpu.memory_space<vmem_shared>>
      %dma_wait3A_53 = arith.constant 0 : i32
      %dma_wait3A_54 = arith.constant 0 : i32
      %dma_wait3A_55 = tpu.memref_slice %arg5[%dma_wait3A_53, %dma_wait3A_54] : memref<128x16xf32, #tpu.memory_space<vmem>> -> memref<120x16xf32, #tpu.memory_space<vmem>>
      tpu.wait_dma2 semaphore(%run_scoped3A : memref<!tpu.dma_semaphore, #tpu.memory_space<semaphore_mem>>) src(%dma_wait3A_55 : memref<120x16xf32, #tpu.memory_space<vmem>>) dst(%dma_wait3A_52 : memref<120x16xf32, #tpu.memory_space<vmem_shared>>)
      tpu.yield
    }) : () -> ()
    %broadcast_in_dim3A_21 = arith.constant 1.000000e+00 : f32
    %broadcast_in_dim3A_22 = vector.broadcast %broadcast_in_dim3A_21 : f32 to vector<16xf32>
    %scan3A_23 = arith.constant 0 : i32
    %scan3A_24 = arith.constant 0 : i32
    %scan3A_25 = arith.constant 128 : i32
    %scan3A_26 = arith.addi %scan3A_24, %scan3A_25 : i32
    %scan3A_27 = arith.constant 1 : i32
    %scan3A_28 = scf.for %scan3A_38 = %scan3A_24 to %scan3A_26 step %scan3A_27 iter_args(%scan3A_39 = %scan3A_23) -> (i32)  : i32 {
      %swap3A = arith.index_cast %scan3A_38 : i32 to index
      %swap3A_40 = arith.constant 0 : index
      %swap3A_41 = tpu.vector_load %arg5[%swap3A, %swap3A_40] {strides = array<i32>} : memref<128x16xf32, #tpu.memory_space<vmem>>, vector<1x16xf32>,
      %swap3A_42 = vector.shape_cast %swap3A_41 : vector<1x16xf32> to vector<16xf32>
      %swap3A_43 = vector.shape_cast %broadcast_in_dim3A_22 : vector<16xf32> to vector<1x16xf32>
      tpu.vector_store %arg5[%swap3A, %swap3A_40], %swap3A_43 {strides = array<i32>} : memref<128x16xf32, #tpu.memory_space<vmem>>, vector<1x16xf32>,
      %scan3A_44 = arith.constant 0 : i32
      scf.yield %scan3A_44 : i32
    }
    %scan3A_29 = arith.constant 128 : i32
    "tpu.region"() ({
      %run_scoped3A = tpu.sem_alloc : memref<!tpu.dma_semaphore, #tpu.memory_space<semaphore_mem>>
      %dma_start3A = arith.constant 0 : i32
      %dma_start3A_38 = arith.constant 0 : i32
      %dma_start3A_39 = tpu.memref_slice %arg2[%add3A, %dma_start3A, %dma_start3A_38] : memref<32x80x128xi32, #tpu.memory_space<hbm>> -> memref<1x80x128xi32, #tpu.memory_space<hbm>>
      %dma_start3A_40 = tpu.memref_squeeze %dma_start3A_39 : memref<1x80x128xi32, #tpu.memory_space<hbm>> -> memref<80x128xi32, #tpu.memory_space<hbm>>
      %dma_start3A_41 = arith.constant 0 : i32
      %dma_start3A_42 = arith.constant 0 : i32
      %dma_start3A_43 = tpu.memref_slice %arg2[%add3A, %dma_start3A_41, %dma_start3A_42] : memref<32x80x128xi32, #tpu.memory_space<hbm>> -> memref<1x80x128xi32, #tpu.memory_space<hbm>>
      %dma_start3A_44 = tpu.memref_squeeze %dma_start3A_43 : memref<1x80x128xi32, #tpu.memory_space<hbm>> -> memref<80x128xi32, #tpu.memory_space<hbm>>
      tpu.enqueue_dma source(%dma_start3A_44 : memref<80x128xi32, #tpu.memory_space<hbm>>) target(%arg4 : memref<80x128xi32, #tpu.memory_space<vmem>>) target_semaphore(%run_scoped3A : memref<!tpu.dma_semaphore, #tpu.memory_space<semaphore_mem>>)
      %dma_wait3A = arith.constant 0 : i32
      %dma_wait3A_45 = arith.constant 0 : i32
      %dma_wait3A_46 = tpu.memref_slice %arg2[%add3A, %dma_wait3A, %dma_wait3A_45] : memref<32x80x128xi32, #tpu.memory_space<hbm>> -> memref<1x80x128xi32, #tpu.memory_space<hbm>>
      %dma_wait3A_47 = tpu.memref_squeeze %dma_wait3A_46 : memref<1x80x128xi32, #tpu.memory_space<hbm>> -> memref<80x128xi32, #tpu.memory_space<hbm>>
      %dma_wait3A_48 = arith.constant 0 : i32
      %dma_wait3A_49 = arith.constant 0 : i32
      %dma_wait3A_50 = tpu.memref_slice %arg2[%add3A, %dma_wait3A_48, %dma_wait3A_49] : memref<32x80x128xi32, #tpu.memory_space<hbm>> -> memref<1x80x128xi32, #tpu.memory_space<hbm>>
      %dma_wait3A_51 = tpu.memref_squeeze %dma_wait3A_50 : memref<1x80x128xi32, #tpu.memory_space<hbm>> -> memref<80x128xi32, #tpu.memory_space<hbm>>
      tpu.wait_dma2 semaphore(%run_scoped3A : memref<!tpu.dma_semaphore, #tpu.memory_space<semaphore_mem>>) src(%dma_wait3A_51 : memref<80x128xi32, #tpu.memory_space<hbm>>) dst(%arg4 : memref<80x128xi32, #tpu.memory_space<vmem>>)
      tpu.yield
    }) : () -> ()
    %barrier3A = arith.constant 0 : index
    tpu.barrier barrier_id(%barrier3A)
    %scan3A_30 = arith.constant 0 : i32
    %scan3A_31 = arith.constant 0 : i32
    %scan3A_32 = arith.constant 80 : i32
    %scan3A_33 = arith.addi %scan3A_31, %scan3A_32 : i32
    %scan3A_34 = arith.constant 1 : i32
    %scan3A_35 = scf.for %scan3A_38 = %scan3A_31 to %scan3A_33 step %scan3A_34 iter_args(%scan3A_39 = %scan3A_30) -> (i32)  : i32 {
      "tpu.region"() ({
        %run_scoped3A = tpu.sem_alloc : memref<!tpu.dma_semaphore, #tpu.memory_space<semaphore_mem>>
        %dma_start3A = arith.constant 0 : i32
        %dma_start3A_41 = tpu.memref_slice %arg4[%scan3A_38, %dma_start3A] : memref<80x128xi32, #tpu.memory_space<vmem>> -> memref<1x128xi32, #tpu.memory_space<vmem>>
        %dma_start3A_42 = tpu.memref_squeeze %dma_start3A_41 : memref<1x128xi32, #tpu.memory_space<vmem>> -> memref<128xi32, #tpu.memory_space<vmem>>
        %dma_start3A_43 = arith.constant 0 : i32
        %dma_start3A_44 = arith.constant 0 : i32
        %dma_start3A_45 = tpu.memref_slice %arg6[%dma_start3A_43, %dma_start3A_44] : memref<10112x16xf32, #tpu.memory_space<vmem_shared>> -> memref<10112x16xf32, #tpu.memory_space<vmem_shared>>
        tpu.enqueue_indirect_dma source(%arg5 : memref<128x16xf32, #tpu.memory_space<vmem>>) target(%dma_start3A_45 : memref<10112x16xf32, #tpu.memory_space<vmem_shared>>) offsets(%dma_start3A_42 : memref<128xi32, #tpu.memory_space<vmem>>) semaphore(%run_scoped3A : memref<!tpu.dma_semaphore, #tpu.memory_space<semaphore_mem>>) {add = true}
        %dma_wait3A = arith.constant 0 : i32
        %dma_wait3A_46 = tpu.memref_slice %arg4[%scan3A_38, %dma_wait3A] : memref<80x128xi32, #tpu.memory_space<vmem>> -> memref<1x128xi32, #tpu.memory_space<vmem>>
        %dma_wait3A_47 = tpu.memref_squeeze %dma_wait3A_46 : memref<1x128xi32, #tpu.memory_space<vmem>> -> memref<128xi32, #tpu.memory_space<vmem>>
        %dma_wait3A_48 = arith.constant 0 : i32
        %dma_wait3A_49 = arith.constant 0 : i32
        %dma_wait3A_50 = tpu.memref_slice %arg6[%dma_wait3A_48, %dma_wait3A_49] : memref<10112x16xf32, #tpu.memory_space<vmem_shared>> -> memref<10112x16xf32, #tpu.memory_space<vmem_shared>>
        tpu.wait_indirect_dma semaphore(%run_scoped3A : memref<!tpu.dma_semaphore, #tpu.memory_space<semaphore_mem>>) src(%arg5 : memref<128x16xf32, #tpu.memory_space<vmem>>) dst(%dma_wait3A_50 : memref<10112x16xf32, #tpu.memory_space<vmem_shared>>)
        tpu.yield
      }) : () -> ()
      %scan3A_40 = arith.constant 0 : i32
      scf.yield %scan3A_40 : i32
    }
    %scan3A_36 = arith.constant 80 : i32
    %barrier3A_37 = arith.constant 0 : index
    tpu.barrier barrier_id(%barrier3A_37)
    "tpu.region"() ({
      %run_scoped3A = tpu.sem_alloc : memref<!tpu.dma_semaphore, #tpu.memory_space<semaphore_mem>>
      %dma_start3A = arith.constant 0 : i32
      %dma_start3A_38 = tpu.memref_slice %arg3[%arg0, %mul3A_9, %dma_start3A] : memref<2x10112x16xf32, #tpu.memory_space<hbm>> -> memref<1x632x16xf32, #tpu.memory_space<hbm>>
      %dma_start3A_39 = tpu.memref_squeeze %dma_start3A_38 : memref<1x632x16xf32, #tpu.memory_space<hbm>> -> memref<632x16xf32, #tpu.memory_space<hbm>>
      %dma_start3A_40 = arith.constant 0 : i32
      %dma_start3A_41 = tpu.memref_slice %arg6[%mul3A_9, %dma_start3A_40] : memref<10112x16xf32, #tpu.memory_space<vmem_shared>> -> memref<632x16xf32, #tpu.memory_space<vmem_shared>>
      tpu.enqueue_dma source(%dma_start3A_41 : memref<632x16xf32, #tpu.memory_space<vmem_shared>>) target(%dma_start3A_39 : memref<632x16xf32, #tpu.memory_space<hbm>>) target_semaphore(%run_scoped3A : memref<!tpu.dma_semaphore, #tpu.memory_space<semaphore_mem>>)
      %dma_wait3A = arith.constant 0 : i32
      %dma_wait3A_42 = tpu.memref_slice %arg3[%arg0, %mul3A_9, %dma_wait3A] : memref<2x10112x16xf32, #tpu.memory_space<hbm>> -> memref<1x632x16xf32, #tpu.memory_space<hbm>>
      %dma_wait3A_43 = tpu.memref_squeeze %dma_wait3A_42 : memref<1x632x16xf32, #tpu.memory_space<hbm>> -> memref<632x16xf32, #tpu.memory_space<hbm>>
      %dma_wait3A_44 = arith.constant 0 : i32
      %dma_wait3A_45 = tpu.memref_slice %arg6[%mul3A_9, %dma_wait3A_44] : memref<10112x16xf32, #tpu.memory_space<vmem_shared>> -> memref<632x16xf32, #tpu.memory_space<vmem_shared>>
      tpu.wait_dma2 semaphore(%run_scoped3A : memref<!tpu.dma_semaphore, #tpu.memory_space<semaphore_mem>>) src(%dma_wait3A_45 : memref<632x16xf32, #tpu.memory_space<vmem_shared>>) dst(%dma_wait3A_43 : memref<632x16xf32, #tpu.memory_space<hbm>>)
      tpu.yield
    }) : () -> ()
    return
  }
}

module attributes {stable_mosaic.version = 14 : i64} {
  func.func @_mm_body(%arg0: i32, %arg1: memref<1264x128xf32, #tpu.memory_space<vmem>>, %arg2: memref<128x128xf32, #tpu.memory_space<vmem>>, %arg3: memref<2x1264x16xf32, #tpu.memory_space<vmem>>, %arg4: memref<1264x128xf32, #tpu.memory_space<vmem>>, %arg5: memref<1264x1xf32, #tpu.memory_space<vmem>>) attributes {dimension_semantics = [#tpu.dimension_semantics<arbitrary>], iteration_bounds = array<i64: 8>, scalar_prefetch = 0 : i64, scratch_operands = 0 : i64, tpu.core_type = #tpu.core_type<tc>, window_params = [{transform_indices = @transform_0, window_bounds = array<i64: 1264, 128>}, {pipeline_mode = #tpu.pipeline_mode<synchronous>, transform_indices = @transform_1, window_bounds = array<i64: 128, 128>}, {transform_indices = @transform_2, window_bounds = array<i64: 2, 1264, 16>}, {transform_indices = @transform_3, window_bounds = array<i64: 1264, 128>}, {transform_indices = @transform_4, window_bounds = array<i64: 1264, 1>}]} {
    %get3A = arith.constant 0 : index
    %get3A_0 = arith.constant 0 : index
    %get3A_1 = arith.constant 0 : index
    %get3A_2 = vector.load %arg3[%get3A, %get3A_0, %get3A_1] : memref<2x1264x16xf32, #tpu.memory_space<vmem>>, vector<1x1264x16xf32>
    %get3A_3 = vector.shape_cast %get3A_2 : vector<1x1264x16xf32> to vector<1264x16xf32>
    %get3A_4 = arith.constant 1 : index
    %get3A_5 = arith.constant 0 : index
    %get3A_6 = arith.constant 0 : index
    %get3A_7 = vector.load %arg3[%get3A_4, %get3A_5, %get3A_6] : memref<2x1264x16xf32, #tpu.memory_space<vmem>>, vector<1x1264x16xf32>
    %get3A_8 = vector.shape_cast %get3A_7 : vector<1x1264x16xf32> to vector<1264x16xf32>
    %add3A = arith.addf %get3A_3, %get3A_8 : vector<1264x16xf32>
    %slice3A = vector.extract_strided_slice %add3A {offsets = [0, 0], sizes = [1264, 1], strides = [1, 1]} : vector<1264x16xf32> to vector<1264x1xf32>
    %add3A_9 = arith.constant 1.000000e+00 : f32
    %add3A_10 = vector.broadcast %add3A_9 : f32 to vector<1264x1xf32>
    %add3A_11 = arith.addf %slice3A, %add3A_10 : vector<1264x1xf32>
    %rsqrt3A = math.rsqrt %add3A_11 : vector<1264x1xf32>
    %mul3A = arith.constant 1264 : i32
    %mul3A_12 = arith.muli %arg0, %mul3A : i32
    %iota3A = tpu.iota {dimensions = array<i32: 0>} : vector<1264x1xi32>
    %add3A_13 = vector.broadcast %mul3A_12 : i32 to vector<1264x1xi32>
    %add3A_14 = arith.addi %add3A_13, %iota3A : vector<1264x1xi32>
    %lt3A = arith.constant 10000 : i32
    %lt3A_15 = vector.broadcast %lt3A : i32 to vector<1264x1xi32>
    %lt3A_16 = arith.cmpi slt, %add3A_14, %lt3A_15 : vector<1264x1xi32>
    %jit3A = arith.constant 0.000000e+00 : f32
    %broadcast_in_dim3A = vector.broadcast %jit3A : f32 to vector<1264x1xf32>
    %select_n3A = arith.select %lt3A_16, %rsqrt3A, %broadcast_in_dim3A : vector<1264x1xi1>, vector<1264x1xf32>
    %get3A_17 = arith.constant 0 : index
    %get3A_18 = arith.constant 0 : index
    %get3A_19 = vector.load %arg1[%get3A_17, %get3A_18] : memref<1264x128xf32, #tpu.memory_space<vmem>>, vector<1264x128xf32>
    %get3A_20 = arith.constant 0 : index
    %get3A_21 = arith.constant 0 : index
    %get3A_22 = vector.load %arg2[%get3A_20, %get3A_21] : memref<128x128xf32, #tpu.memory_space<vmem>>, vector<128x128xf32>
    %dot_general3A = arith.constant dense<0.000000e+00> : vector<1264x128xf32>
    %dot_general3A_23 = tpu.matmul %get3A_19, %get3A_22, %dot_general3A {dimension_numbers = #tpu.dot_dimension_numbers<[1], [0], [0], [1], [0, 0, 1, 1], [], []>, transpose_lhs_hint = false} : vector<1264x128xf32>, vector<128x128xf32>, vector<1264x128xf32> -> vector<1264x128xf32>
    %mul3A_24 = vector.broadcast %select_n3A : vector<1264x1xf32> to vector<1264x128xf32>
    %mul3A_25 = arith.mulf %mul3A_24, %dot_general3A_23 : vector<1264x128xf32>
    %swap3A = arith.constant 0 : index
    %swap3A_26 = arith.constant 0 : index
    %swap3A_27 = vector.load %arg4[%swap3A, %swap3A_26] : memref<1264x128xf32, #tpu.memory_space<vmem>>, vector<1264x128xf32>
    tpu.vector_store %arg4[%swap3A, %swap3A_26], %mul3A_25 {strides = array<i32>} : memref<1264x128xf32, #tpu.memory_space<vmem>>, vector<1264x128xf32>,
    %swap3A_28 = arith.constant 0 : index
    %swap3A_29 = arith.constant 0 : index
    %swap3A_30 = vector.load %arg5[%swap3A_28, %swap3A_29] : memref<1264x1xf32, #tpu.memory_space<vmem>>, vector<1264x1xf32>
    tpu.vector_store %arg5[%swap3A_28, %swap3A_29], %select_n3A {strides = array<i32>} : memref<1264x1xf32, #tpu.memory_space<vmem>>, vector<1264x1xf32>,
    return
  }
  func.func @transform_0(%arg0: i32) -> (i32, i32) {
    %c0_i32 = arith.constant 0 : i32
    %c0_i32_0 = arith.constant 0 : i32
    return %arg0, %c0_i32 : i32, i32
  }
  func.func @transform_1(%arg0: i32) -> (i32, i32) {
    %c0_i32 = arith.constant 0 : i32
    %c0_i32_0 = arith.constant 0 : i32
    %c0_i32_1 = arith.constant 0 : i32
    return %c0_i32, %c0_i32_0 : i32, i32
  }
  func.func @transform_2(%arg0: i32) -> (i32, i32, i32) {
    %c0_i32 = arith.constant 0 : i32
    %c0_i32_0 = arith.constant 0 : i32
    %c0_i32_1 = arith.constant 0 : i32
    return %c0_i32, %arg0, %c0_i32_0 : i32, i32, i32
  }
  func.func @transform_3(%arg0: i32) -> (i32, i32) {
    %c0_i32 = arith.constant 0 : i32
    %c0_i32_0 = arith.constant 0 : i32
    return %arg0, %c0_i32 : i32, i32
  }
  func.func @transform_4(%arg0: i32) -> (i32, i32) {
    %c0_i32 = arith.constant 0 : i32
    %c0_i32_0 = arith.constant 0 : i32
    return %arg0, %c0_i32 : i32, i32
  }
}

module attributes {stable_mosaic.version = 14 : i64} {
  func.func @_bn_body(%arg0: memref<2x10112x128xf32, #tpu.memory_space<vmem>>, %arg1: memref<10112x128xf32, #tpu.memory_space<vmem>>, %arg2: memref<10112x1xf32, #tpu.memory_space<vmem>>, %arg3: memref<1x128xf32, #tpu.memory_space<vmem>>, %arg4: memref<1x128xf32, #tpu.memory_space<vmem>>, %arg5: memref<1x128xf32, #tpu.memory_space<vmem>>, %arg6: memref<10000x128xf32, #tpu.memory_space<vmem>>) attributes {dimension_semantics = [], scalar_prefetch = 0 : i64, scratch_operands = 0 : i64, tpu.core_type = #tpu.core_type<tc>} {
    %get3A = arith.constant 0 : index
    %get3A_0 = arith.constant 0 : index
    %get3A_1 = vector.load %arg2[%get3A, %get3A_0] : memref<10112x1xf32, #tpu.memory_space<vmem>>, vector<10112x1xf32>
    %get3A_2 = arith.constant 0 : index
    %get3A_3 = arith.constant 0 : index
    %get3A_4 = arith.constant 0 : index
    %get3A_5 = vector.load %arg0[%get3A_2, %get3A_3, %get3A_4] : memref<2x10112x128xf32, #tpu.memory_space<vmem>>, vector<1x10112x128xf32>
    %get3A_6 = vector.shape_cast %get3A_5 : vector<1x10112x128xf32> to vector<10112x128xf32>
    %get3A_7 = arith.constant 1 : index
    %get3A_8 = arith.constant 0 : index
    %get3A_9 = arith.constant 0 : index
    %get3A_10 = vector.load %arg0[%get3A_7, %get3A_8, %get3A_9] : memref<2x10112x128xf32, #tpu.memory_space<vmem>>, vector<1x10112x128xf32>
    %get3A_11 = vector.shape_cast %get3A_10 : vector<1x10112x128xf32> to vector<10112x128xf32>
    %add3A = arith.addf %get3A_6, %get3A_11 : vector<10112x128xf32>
    %get3A_12 = arith.constant 0 : index
    %get3A_13 = arith.constant 0 : index
    %get3A_14 = vector.load %arg1[%get3A_12, %get3A_13] : memref<10112x128xf32, #tpu.memory_space<vmem>>, vector<10112x128xf32>
    %add3A_15 = arith.addf %add3A, %get3A_14 : vector<10112x128xf32>
    %mul3A = vector.broadcast %get3A_1 : vector<10112x1xf32> to vector<10112x128xf32>
    %mul3A_16 = arith.mulf %mul3A, %add3A_15 : vector<10112x128xf32>
    %get3A_17 = arith.constant 0 : index
    %get3A_18 = arith.constant 0 : index
    %get3A_19 = vector.load %arg3[%get3A_17, %get3A_18] : memref<1x128xf32, #tpu.memory_space<vmem>>, vector<1x128xf32>
    %add3A_20 = vector.broadcast %get3A_19 : vector<1x128xf32> to vector<10112x128xf32>
    %add3A_21 = arith.addf %mul3A_16, %add3A_20 : vector<10112x128xf32>
    %iota3A = tpu.iota {dimensions = array<i32: 0>} : vector<10112x1xi32>
    %lt3A = arith.constant 10000 : i32
    %lt3A_22 = vector.broadcast %lt3A : i32 to vector<10112x1xi32>
    %lt3A_23 = arith.cmpi slt, %iota3A, %lt3A_22 : vector<10112x1xi32>
    %jit3A = arith.constant 0.000000e+00 : f32
    %broadcast_in_dim3A = vector.shape_cast %lt3A_23 : vector<10112x1xi1> to vector<10112x1xi1>
    %broadcast_in_dim3A_24 = vector.broadcast %broadcast_in_dim3A : vector<10112x1xi1> to vector<10112x128xi1>
    %broadcast_in_dim3A_25 = vector.broadcast %jit3A : f32 to vector<10112x128xf32>
    %select_n3A = arith.select %broadcast_in_dim3A_24, %add3A_21, %broadcast_in_dim3A_25 : vector<10112x128xi1>, vector<10112x128xf32>
    %reduce_sum3A = arith.constant dense<0.000000e+00> : vector<128xf32>
    %reduce_sum3A_26 = vector.multi_reduction <add>, %select_n3A, %reduce_sum3A [0] : vector<10112x128xf32> to vector<128xf32>
    %broadcast_in_dim3A_27 = vector.shape_cast %reduce_sum3A_26 : vector<128xf32> to vector<1x128xf32>
    %mul3A_28 = arith.mulf %select_n3A, %select_n3A : vector<10112x128xf32>
    %reduce_sum3A_29 = arith.constant dense<0.000000e+00> : vector<128xf32>
    %reduce_sum3A_30 = vector.multi_reduction <add>, %mul3A_28, %reduce_sum3A_29 [0] : vector<10112x128xf32> to vector<128xf32>
    %broadcast_in_dim3A_31 = vector.shape_cast %reduce_sum3A_30 : vector<128xf32> to vector<1x128xf32>
    %mul3A_32 = arith.constant 9.99999974E-5 : f32
    %mul3A_33 = vector.broadcast %mul3A_32 : f32 to vector<1x128xf32>
    %mul3A_34 = arith.mulf %broadcast_in_dim3A_27, %mul3A_33 : vector<1x128xf32>
    %mul3A_35 = arith.constant 9.99999974E-5 : f32
    %mul3A_36 = vector.broadcast %mul3A_35 : f32 to vector<1x128xf32>
    %mul3A_37 = arith.mulf %broadcast_in_dim3A_31, %mul3A_36 : vector<1x128xf32>
    %mul3A_38 = arith.mulf %mul3A_34, %mul3A_34 : vector<1x128xf32>
    %sub3A = arith.subf %mul3A_37, %mul3A_38 : vector<1x128xf32>
    %add3A_39 = arith.constant 9.99999974E-6 : f32
    %add3A_40 = vector.broadcast %add3A_39 : f32 to vector<1x128xf32>
    %add3A_41 = arith.addf %sub3A, %add3A_40 : vector<1x128xf32>
    %rsqrt3A = math.rsqrt %add3A_41 : vector<1x128xf32>
    %slice3A = vector.extract_strided_slice %add3A_21 {offsets = [0, 0], sizes = [10000, 128], strides = [1, 1]} : vector<10112x128xf32> to vector<10000x128xf32>
    %sub3A_42 = vector.broadcast %mul3A_34 : vector<1x128xf32> to vector<10000x128xf32>
    %sub3A_43 = arith.subf %slice3A, %sub3A_42 : vector<10000x128xf32>
    %mul3A_44 = vector.broadcast %rsqrt3A : vector<1x128xf32> to vector<10000x128xf32>
    %mul3A_45 = arith.mulf %sub3A_43, %mul3A_44 : vector<10000x128xf32>
    %get3A_46 = arith.constant 0 : index
    %get3A_47 = arith.constant 0 : index
    %get3A_48 = vector.load %arg4[%get3A_46, %get3A_47] : memref<1x128xf32, #tpu.memory_space<vmem>>, vector<1x128xf32>
    %mul3A_49 = vector.broadcast %get3A_48 : vector<1x128xf32> to vector<10000x128xf32>
    %mul3A_50 = arith.mulf %mul3A_45, %mul3A_49 : vector<10000x128xf32>
    %get3A_51 = arith.constant 0 : index
    %get3A_52 = arith.constant 0 : index
    %get3A_53 = vector.load %arg5[%get3A_51, %get3A_52] : memref<1x128xf32, #tpu.memory_space<vmem>>, vector<1x128xf32>
    %add3A_54 = vector.broadcast %get3A_53 : vector<1x128xf32> to vector<10000x128xf32>
    %add3A_55 = arith.addf %mul3A_50, %add3A_54 : vector<10000x128xf32>
    %gt3A = arith.constant 0.000000e+00 : f32
    %gt3A_56 = vector.broadcast %gt3A : f32 to vector<10000x128xf32>
    %gt3A_57 = arith.cmpf ogt, %add3A_55, %gt3A_56 : vector<10000x128xf32>
    %mul3A_58 = arith.constant 2.000000e-01 : f32
    %mul3A_59 = vector.broadcast %mul3A_58 : f32 to vector<10000x128xf32>
    %mul3A_60 = arith.mulf %mul3A_59, %add3A_55 : vector<10000x128xf32>
    %select_n3A_61 = arith.select %gt3A_57, %add3A_55, %mul3A_60 : vector<10000x128xi1>, vector<10000x128xf32>
    %swap3A = arith.constant 0 : index
    %swap3A_62 = arith.constant 0 : index
    %swap3A_63 = vector.load %arg6[%swap3A, %swap3A_62] : memref<10000x128xf32, #tpu.memory_space<vmem>>, vector<10000x128xf32>
    tpu.vector_store %arg6[%swap3A, %swap3A_62], %select_n3A_61 {strides = array<i32>} : memref<10000x128xf32, #tpu.memory_space<vmem>>, vector<10000x128xf32>,
    return
  }
}

</mosaic_0001>

<sc_bundles>
// kernel: kernel.6.cloned.1.call-start
scs
__scs_entry_jumppad:
0x0: {  	(pc) =	sbr.rel $0x88, $3  }
0x1: {  	(tag) =	ssettag $0x0;
	lr =	simm.s32 $0x1  }
0x2: {  	[smem:$0x3F9B] =	sst lr;
	_ =	strace $0xD0000000  }
0x3: {  	_ = 	snop  }
0x4: {  	_ = 	snop  }
0x5: {  	_ = 	snop  }
0x6: {  	_ = 	snop  }
0x7: {  	_ = 	snop  }
__scs_overlays_trampoline_lowered:
0x8: {  	[smem:$0x3FAA] =	sst s0  }
0x9: {  	[smem:$0x3FAB] =	sst s1  }
0xa: {  	[smem:$0x3FAC] =	sst s2  }
0xb: {  	[smem:$0x3FAD] =	sst s3  }
0xc: {  	[smem:$0x3FAE] =	sst s4  }
0xd: {  	[smem:$0x3FAF] =	sst s5  }
0xe: {  	[smem:$0x3FB0] =	sst s6  }
0xf: {  	[smem:$0x3FB1] =	sst s7  }
0x10: {  	[smem:$0x3FB2] =	sst s8  }
0x11: {  	[smem:$0x3FB3] =	sst s9;
	s0 =	simm.s32 @!p0 $0x0  }
0x12: {  	s1 =	sld [smem:$0x3F99];
	s0 =	simm.s32 @p0 $0x1  }
0x13: {  	[smem:$0x3FB4] =	sst s0;
	s0 =	simm.s32 @!p1 $0x0  }
0x14: {  	s2 =	sld [smem:$0x3F98];
	s0 =	simm.s32 @p1 $0x1  }
0x15: {  	[smem:$0x3FB5] =	sst s0;
	s0 =	simm.s32 @!p2 $0x0  }
0x16: {  	s3 =	sld [smem:$0x3FDB];
	s0 =	simm.s32 @p2 $0x1  }
0x17: {  	s4 =	simm.s32 $0x1BF5;
	[smem:$0x3FB7] =	sst s0  }
0x18: {  	s0 =	sld [smem:$0x3F9A];
	_ =	swait.ge [sflag:s4], $0x0  }
0x19: {  	s7 =	sld [smem:$0x3F9B]  }
0x1a: {  	s8 =	sadd.s32 $0xFFFFE003, lr  }
0x1b: {  	s9 =	sadd.s32 $0xFFFFFEF7, lr;
	s5 =	simm.s32 $0xFFFFFFFF;
	p2 =	slt.u32 s8, $0xFFFFF086  }
0x1c: {  	p1 =	slt.u32 s9, $0xF7A;
	s5 =	simm.s32 @!p2 $0x0  }
0x1d: {  	s5 =	simm.s32 @p1 $0x1;
	p0 =	seq.s32 s7, s2  }
0x1e: {  	s7 =	smul.u32 @!p0 $0xF7A, s2;
	p2 =	seq.s32 @!p0 s5, $0x0  }
0x1f: {  	s9 =	smul.u32 $0xF7A, s1;
	s8 =	simm.s32 @!p0 $0x1BF5;
	p2 =	por !p2, p0  }
0x20: {  	[sflag:s8] =	ssyncset.s32 @!p0 $0xFFFFF086;
	s6 =	sadd.s32 @!p0 s3, s7;
	s7 =	simm.s32 @!p0 $0x108  }
0x21: {  	s3 =	sadd.s32 s3, s9;
	s6 =	sadd.s32 @!p0 $0x88, s6;
	s7 =	simm.s32 @p2 $0x1082  }
0x22: {  	[simem:s7], [sflag:s8] =	dma.local @!p0 [hbm:s6], $0xF7A  }
0x23: {  	s9 =	sor.u32 $0xD0000000, s2;
	s6 =	simm.s32 $0x108;
	_ =	swait.ge @!p0 [sflag:s8], $0x0  }
0x24: {  	s3 =	sadd.s32 $0x88, s3;
	s6 =	simm.s32 @!p1 $0x1082;
	[sflag:s4] =	ssyncset.s32 $0xFFFFF086  }
0x25: {  	[simem:s6], [sflag:s4] =	dma.local [hbm:s3], $0xF7A  }
0x26: {  	[smem:$0x3F9B] =	sst s1;
	(tag) =	ssettag s2;
	_ =	strace s9  }
0x27: {  	s1 =	sld [smem:$0x3FAB]  }
0x28: {  	s2 =	sld [smem:$0x3FAC]  }
0x29: {  	s4 =	sld [smem:$0x3FAE]  }
0x2a: {  	p0 =	seq.s32 s5, $0x0;
	s5 =	sld [smem:$0x3FAF]  }
0x2b: {  	s6 =	sld [smem:$0x3FB0]  }
0x2c: {  	s7 =	sld [smem:$0x3FB1]  }
0x2d: {  	s3 =	simm.s32 $0x108;
	s8 =	sld [smem:$0x3FB2]  }
0x2e: {  	s3 =	simm.s32 @!p0 $0x1082;
	s9 =	sld [smem:$0x3FB3]  }
0x2f: {  	lr =	sadd.s32 s0, s3;
	s0 =	sld [smem:$0x3FAA]  }
0x30: {  	s3 =	sld [smem:$0x3FAD]  }
0x31: {  	[smem:$0x3FB6] =	sst s10  }
0x32: {  	s10 =	sld [smem:$0x3FB4];
	_ =	sdelay $0x3  }
0x33: {  	p0 =	seq.s32 s10, $0x1;
	s10 =	sld [smem:$0x3FB6];
	_ =	sdelay $0x3  }
0x34: {  	[smem:$0x3FB6] =	sst s10  }
0x35: {  	s10 =	sld [smem:$0x3FB5];
	_ =	sdelay $0x3  }
0x36: {  	p1 =	seq.s32 s10, $0x1;
	s10 =	sld [smem:$0x3FB6];
	_ =	sdelay $0x3  }
0x37: {  	[smem:$0x3FB6] =	sst s10  }
0x38: {  	s10 =	sld [smem:$0x3FB7]  }
0x39: {  	_ = 	snop;
	(pc) =	sbr.ind lr, $3  }
0x3a: {  	_ = 	snop  }
0x3b: {  	_ = 	snop  }
0x3c: {  	p2 =	seq.s32 s10, $0x1;
	s10 =	sld [smem:$0x3FB6]  }
0x3d: {  	_ =	shalt  }
0x3e: {  	_ =	shalt  }
0x3f: {  	_ =	shalt  }
0x40: {  	_ =	shalt  }
0x41: {  	_ =	shalt  }
0x42: {  	_ =	shalt  }
0x43: {  	_ =	shalt  }
0x44: {  	_ =	shalt  }
0x45: {  	_ =	shalt  }
0x46: {  	_ =	shalt  }
0x47: {  	_ =	shalt  }
0x48: {  	_ =	shalt  }
0x49: {  	_ =	shalt  }
0x4a: {  	_ =	shalt  }
0x4b: {  	_ =	shalt  }
0x4c: {  	_ =	shalt  }
0x4d: {  	_ =	shalt  }
0x4e: {  	_ =	shalt  }
0x4f: {  	_ =	shalt  }
0x50: {  	_ =	shalt  }
0x51: {  	_ =	shalt  }
0x52: {  	_ =	shalt  }
0x53: {  	_ =	shalt  }
0x54: {  	_ =	shalt  }
0x55: {  	_ =	shalt  }
0x56: {  	_ =	shalt  }
0x57: {  	_ =	shalt  }
0x58: {  	_ =	shalt  }
0x59: {  	_ =	shalt  }
0x5a: {  	_ =	shalt  }
0x5b: {  	_ =	shalt  }
0x5c: {  	_ =	shalt  }
0x5d: {  	_ =	shalt  }
0x5e: {  	_ =	shalt  }
0x5f: {  	_ =	shalt  }
0x60: {  	_ =	shalt  }
0x61: {  	_ =	shalt  }
0x62: {  	_ =	shalt  }
0x63: {  	_ =	shalt  }
0x64: {  	_ =	shalt  }
0x65: {  	_ =	shalt  }
0x66: {  	_ =	shalt  }
0x67: {  	_ =	shalt  }
0x68: {  	_ =	shalt  }
0x69: {  	_ =	shalt  }
0x6a: {  	_ =	shalt  }
0x6b: {  	_ =	shalt  }
0x6c: {  	_ =	shalt  }
0x6d: {  	_ =	shalt  }
0x6e: {  	_ =	shalt  }
0x6f: {  	_ =	shalt  }
0x70: {  	_ =	shalt  }
0x71: {  	_ =	shalt  }
0x72: {  	_ =	shalt  }
0x73: {  	_ =	shalt  }
0x74: {  	_ =	shalt  }
0x75: {  	_ =	shalt  }
0x76: {  	_ =	shalt  }
0x77: {  	_ =	shalt  }
0x78: {  	_ =	shalt  }
0x79: {  	_ =	shalt  }
0x7a: {  	_ =	shalt  }
0x7b: {  	_ =	shalt  }
0x7c: {  	_ =	shalt  }
0x7d: {  	_ =	shalt  }
0x7e: {  	_ =	shalt  }
0x7f: {  	_ =	shalt  }
0x80: {  	_ =	shalt  }
0x81: {  	_ =	shalt  }
0x82: {  	_ =	shalt  }
0x83: {  	_ =	shalt  }
0x84: {  	_ =	shalt  }
0x85: {  	_ =	shalt  }
0x86: {  	_ =	shalt  }
0x87: {  	_ =	shalt  }
.Lfunc_end0:
.L_simem_size_0:
called_computation_lowered:
.L_overlay_start_0:
0x88: {  	s2 =	sld [smem:$0x3FD9]  }
0x89: {  	s3 =	sld [smem:$0x3FFE];
	_ =	sdelay $0x1  }
0x8a: {  	s1 =	srdreg.scid  }
0x8b: {  	s0 =	sand.u32 $0x1, s1  }
0x8c: {  	s16 =	sshll.u32 s0, $0xA;
	s2 =	sadd.s32 s3, s2  }
0x8d: {  	s2 =	sadd.s32 s2, s16  }
0x8e: {  	[smem:$0x3FC2] =	sst s2  }
0x8f: {  	_ = 	snop  }
0x90: {  	(tm) =	ssettm $0x1  }
0x91: {  	s17 =	sld [smem:$0x3FFB];
	_ =	sdelay $0x3  }
0x92: {  	_ =	strace s17  }
0x93: {  	s2 =	sld [smem:$0x3FFC];
	_ =	sdelay $0x3  }
0x94: {  	_ =	strace s2  }
0x95: {  	s2 =	sld [smem:$0x3FFD];
	_ =	sdelay $0x3  }
0x96: {  	_ =	strace s2  }
0x97: {  	_ =	strace $0x8FFFFFFF  }
0x98: {  	s18 =	sld [smem:$0x3FDB];
	_ =	sdelay $0x1  }
0x99: {  	s19 =	simm.s32 $_scs_section_size  }
0x9a: {  	s4 =	simm.s32 $_size__tile_overlayer_lowered;
	s5 =	simm.s32 $_tile_overlayer_lowered  }
0x9b: {  	s22 =	simm.s32 $0x1BFF;
	s21 =	sshll.u32 s5, $0x1;
	s2 =	sadd.s32 s19, s18  }
0x9c: {  	s6 =	simm.s32 $0x0;
	s20 =	sshll.u32 s4, $0x1;
	s4 =	sadd.s32 s21, s2  }
0x9d: {  	[timem:s6], [sflag:s22] =	dma.local [hbm:s4], s20  }
0x9e: {  	_ =	swait.ge [sflag:s22], s20  }
0x9f: {  	s3 =	ssub.s32 $0x0, s20;
	[sflag:s22] =	ssyncset.done $0x0  }
0xa0: {  	[sflag:s22] =	ssyncadd.s32 s3;
	_ =	sdelay $0x1  }
0xa1: {  	s23 =	simm.s32 $0x1B8B  }
0xa2: {  	_ =	swait.ge [sflag:s23], $0x1  }
0xa3: {  	[sflag:s23] =	ssyncset.done $0x0  }
0xa4: {  	s25 =	simm.s32 $0x1B8E;
	s24 =	sld [smem:$0x3FFE];
	[sflag:s23] =	ssyncadd.s32 $0xFFFFFFFF  }
0xa5: {  	s26 =	simm.s32 $execute0_lowered;
	[smem:$0x3FD2] =	sst s25  }
0xa6: {  	s4 =	sshll.u32 s26, $0x1;
	_ =	strace $0x80000046;
	[dreg:$0x1] =	wrdreg $0xFFFFFFFF  }
0xa7: {  	s28 =	simm.s32 $_size_execute0_lowered;
	s2 =	sadd.s32 s2, s4;
	[dreg:$0x0] =	wrdreg $0x0  }
0xa8: {  	s4 =	sshll.u32 s28, $0x1;
	[dreg:$0x2] =	wrdreg s2  }
0xa9: {  	[dreg:$0x3] =	wrdreg s4  }
0xaa: {  	[dreg:$0x4] =	wrdreg $0xC0  }
0xab: {  	_ =	task [dreg:s6], $0x5FFFF  }
0xac: {  	[dreg:$0x1] =	wrdreg $0xFFFFFFFF  }
0xad: {  	[dreg:$0x0] =	wrdreg $0x60  }
0xae: {  	[dreg:$0x2] =	wrdreg s24  }
0xaf: {  	[dreg:$0x3] =	wrdreg $0x68000  }
0xb0: {  	[dreg:$0x4] =	wrdreg $0x9  }
0xb1: {  	_ =	task.clear_ibuf [dreg:s6], $0x5FFFF;
	_ =	strace $0x90000046  }
0xb2: {  	s29 =	simm.s32 $0x9;
	_ =	strace $0x80000048  }
0xb3: {  	_ =	swait.ge [sflag:s29], $0x1  }
0xb4: {  	[sflag:s29] =	ssyncadd.s32 $0xFFFFFFFF  }
0xb5: {  	_ =	strace $0x90000048  }
0xb6: {  	_ =	sfence  }
0xb7: {  	s30 =	sld [smem:$0x0];
	_ =	sdelay $0x2  }
0xb8: {  	s31 =	sshll.u32 s1, $0xD;
	s1 =	sshrl.u32 s1, $0x2  }
0xb9: {  	s3 =	sand.u32 $0x4000, s31;
	s1 =	sadd.s32 s1, s30  }
0xba: {  	s0 =	sor.u32 s3, s0;
	s1 =	sshll.u32 s1, $0x11  }
0xbb: {  	s0 =	sor.u32 s1, s0  }
0xbc: {  	s0 =	sadd.s32 $0x8F2B, s0  }
0xbd: {  	[sflag:s0] =	ssyncadd.remote.s32 $0x1  }
0xbe: {  	_ =	sfence.sel $0xFFFF  }
0xbf: {  	[dreg:$0x0] =	wrdreg $0xFFFFFFFF;
	(pc) =	sbr.abs _section_cstart, $3  }
0xc0: {  	[dreg:$0x1] =	wrdreg $0xFFFFFFFF  }
0xc1: {  	_ =	task.clear_ibuf [dreg:s6], $0x2FFFF;
	_ =	strace $0x9FFFFFFF  }
0xc2: {  	(tm) =	ssettm $0x7FFFFFFF  }
0xc3: {  	_ =	shalt  }
tec
execute0_lowered:
.L_overlay_start_1:
0x0: {  	(tag) =	ssettag $0x1  }
0x1: {  	s0 =	srdreg.scid;
	s5 =	rddreg [dreg:$0x0]  }
0x2: {  	s2 =	rddreg [dreg:$0x1];
	s4 =	sand.u32 $0x1, s0  }
0x3: {  	s3 =	simm.s32 $0x0;
	s0 =	stileid.u32;
	s7 =	smul.u32 $0x13C000, s4  }
0x4: {  	s13 =	simm.s32 $0x1;
	s14 =	simm.s32 $0x80;
	s8 =	smul.u32 $0x13C00, s0  }
0x5: {  	[smem:$0x7FF] =	sst s3;
	s1 =	sshll.u32 s4, $0x4;
	s9 =	smul.u32 $0x4F000, s0  }
0x6: {  	s29 =	ssub.s32 $0x2, s4;
	s15 =	sshll.u32 s0, $0x6;
	s1 =	sor.u32 s0, s1  }
0x7: {  	s31 =	sshrl.u32 s29, $0x1;
	s15 =	sor.u32 $0x1C01, s15;
	s6 =	smul.u32 $0x500, s1  }
0x8: {  	s1 =	rddreg [dreg:$0x2];
	_ =	strace $0x80000047;
	s30 =	sshrl.u32 s9, $0x2  }
0x9: {  	s28 =	sadd.s32 s8, s7;
	s12 =	ssub.s32 s29, s31;
	s4 =	sadd.s32 s30, s2  }
0xa: {  	s10 =	sadd.s32 s6, s5;
	s6 =	sshrl.u32 s28, $0x3;
	s7 =	sadd.s32 $0xC000, s4  }
0xb: {  	s8 =	sadd.s32 $0x10000, s4;
	s16 =	sshrl.u32 s4, $0x3;
	s11 =	sadd.s32 s6, s5  }
0xc: {  	s5 =	sadd.s32 $0x4000, s4;
	s6 =	sadd.s32 $0x8000, s4;
	s9 =	sadd.s32 $0x2000, s10  }
0xd: {  	v0 =	vimm.f32 $0.0e+00;
	v1 =	vimm.f32 $1.000000000e+00;
	s10 =	sadd.s32 $0xC000, s11;
	s11 =	smax.u32 s12, $0x1;
	s12 =	simm.s32 $0x2800  }
.LBB2_1:
0xe: {  	s17 =	simm.s32 $0x200;
	s18 =	simm.s32 $0x0  }
.LBB2_2:
0xf: {  	p0 =	sne.s32 s17, $0xFE00;
	[tilespmem:s18+$0x2800] =	vst v0;
	s18 =	smov.u32 s17;
	s17 =	sadd.s32 $0x200, s17  }
.Ltmp0:
0x10: {  	(pc) =	sbr.rel @p0 .LBB2_2-.Ltmp0, $2  }
0x11: {  	_ =	sdelay $0x2  }
0x12: {  	s18 =	sshra.s32 s18, $0x2  }
0x13: {  	[tilespmem:s18+$0x2800] =	vst v0  }
0x14: {  	[spmem:s4] =	stream.linear.scatter [tilespmem:s12], [sflag:$0x1], $0x4000, $0x38;
	[tilespmem:$0x8F80] =	vst v63  }
0x15: {  	_ =	swait.ge [sflag:s13], $0x4000  }
0x16: {  	[sflag:s13] =	ssyncset.done $0x0  }
0x17: {  	[sflag:s13] =	ssyncadd.s32 $0xFFFFC000  }
0x18: {  	[spmem:s5] =	stream.linear.scatter [tilespmem:s12], [sflag:$0x1], $0x4000, $0x38;
	[tilespmem:$0x8F80] =	vst v63  }
0x19: {  	_ =	swait.ge [sflag:s13], $0x4000  }
0x1a: {  	[sflag:s13] =	ssyncset.done $0x0  }
0x1b: {  	[sflag:s13] =	ssyncadd.s32 $0xFFFFC000  }
0x1c: {  	[spmem:s6] =	stream.linear.scatter [tilespmem:s12], [sflag:$0x1], $0x4000, $0x38;
	[tilespmem:$0x8F80] =	vst v63  }
0x1d: {  	_ =	swait.ge [sflag:s13], $0x4000  }
0x1e: {  	[sflag:s13] =	ssyncset.done $0x0  }
0x1f: {  	[sflag:s13] =	ssyncadd.s32 $0xFFFFC000  }
0x20: {  	[spmem:s7] =	stream.linear.scatter [tilespmem:s12], [sflag:$0x1], $0x4000, $0x38;
	[tilespmem:$0x8F80] =	vst v63  }
0x21: {  	_ =	swait.ge [sflag:s13], $0x4000  }
0x22: {  	[sflag:s13] =	ssyncset.done $0x0  }
0x23: {  	[sflag:s13] =	ssyncadd.s32 $0xFFFFC000  }
0x24: {  	[spmem:s8] =	stream.linear.scatter [tilespmem:s12], [sflag:$0x1], $0x3C00, $0x38;
	[tilespmem:$0x8F80] =	vst v63  }
0x25: {  	_ =	swait.ge [sflag:s13], $0x3C00  }
0x26: {  	[sflag:s13] =	ssyncset.done $0x0  }
0x27: {  	s17 =	simm.s32 $0x200;
	s18 =	simm.s32 $0x0;
	[sflag:s13] =	ssyncadd.s32 $0xFFFFC400  }
.LBB2_4:
0x28: {  	p0 =	sne.s32 s17, $0xFE00;
	[tilespmem:s18+$0x2800] =	vst v1;
	s18 =	smov.u32 s17;
	s17 =	sadd.s32 $0x200, s17  }
.Ltmp1:
0x29: {  	(pc) =	sbr.rel @p0 .LBB2_4-.Ltmp1, $2  }
0x2a: {  	_ =	sdelay $0x2  }
0x2b: {  	s18 =	sshra.s32 s18, $0x2  }
0x2c: {  	[tilespmem:s18+$0x2800] =	vst v1;
	s17 =	simm.s32 $0x0  }
0x2d: {  	[tilespmem:s17], [sflag:$0x1] =	stream.linear.gather [hbm4b:s9+s17], $0x2800, $0x38;
	[tilespmem:$0x8F80] =	vst v63  }
0x2e: {  	_ =	swait.ge [sflag:s13], $0x2800  }
0x2f: {  	[sflag:s13] =	ssyncset.done $0x0  }
0x30: {  	[sflag:s13] =	ssyncadd.s32 $0xFFFFD800  }
0x31: {  	s31 =	simm.s32 $0x0;
	[bflag:$0x0] =	sbarrier.arrive $0xFFFF  }
0x32: {  	[spmem:s2] =	stream.indirect.scatter.add.f32 [tilespmem:s12], [sflag:$0x1], $0x10, s31, s14, $0xb8;
	[tilespmem:$0x8F80] =	vst v63  }
0x33: {  	_ =	swait.ge [sflag:s13], $0x800  }
0x34: {  	s17 =	simm.s32 $0x200;
	[sflag:s13] =	ssyncset.done $0x0  }
.LBB2_6:
0x35: {  	s18 =	sshra.s32 s17, $0x2;
	[sflag:s13] =	ssyncadd.s32 $0xFFFFF800;
	p0 =	sne.s32 s17, $0x9E00  }
0x36: {  	[spmem:s2] =	stream.indirect.scatter.add.f32 [tilespmem:s12], [sflag:$0x1], $0x10, s18, s14, $0xb8;
	[tilespmem:$0x8F80] =	vst v63  }
.Ltmp2:
0x37: {  	_ = 	snop;
	(pc) =	sbr.rel @p0 .LBB2_6-.Ltmp2, $4  }
0x38: {  	_ = 	snop  }
0x39: {  	s17 =	sadd.s32 $0x200, s17  }
0x3a: {  	_ =	swait.ge [sflag:s13], $0x800  }
0x3b: {  	[sflag:s13] =	ssyncset.done $0x0  }
0x3c: {  	s3 =	sadd.s32 $0x1, s3  }
0x3d: {  	[sflag:s13] =	ssyncadd.s32 $0xFFFFF800;
	p0 =	sne.s32 s3, s11  }
.Ltmp3:
0x3e: {  	[bflag:$0x0] =	sbarrier.arrive $0xFFFF;
	(pc) =	sbr.rel @p0 .LBB2_1-.Ltmp3, $4  }
0x3f: {  	[hbm:s10], [sflag:s15] =	dma.local [spmem:s16], $0x2780  }
0x40: {  	_ =	swait.ge [sflag:s13], $0x2780  }
0x41: {  	[sflag:s13] =	ssyncset.done $0x0  }
0x42: {  	[sflag:s13] =	ssyncadd.s32 $0xFFFFD880  }
0x43: {  	_ =	sfence.sel $0x180000  }
0x44: {  	[bflag:$0x0] =	sbarrier.arrive $0xFFFF  }
0x45: {  	p0 =	sne.s32 s0, $0x0;
	_ =	strace $0x90000047  }
0x46: {  	s0 =	sadd.s32 @!p0 $0x100000, s1;
	[bflag:$0x2] =	sbarrier.arrive $0xFFFF  }
0x47: {  	[sflag:s0] =	ssyncadd.tile.s32 @!p0 $0x1;
	_ =	shalt  }
.Lfunc_end2:
_tile_overlayer_lowered:
.L_overlay_start_2:
0x48: {  	(tag) =	ssettag $0x2  }
0x49: {  	s0 =	rddreg [dreg:$0x0];
	s2 =	stileid.u32  }
0x4a: {  	s1 =	rddreg [dreg:$0x1];
	p0 =	sne.s32 s2, $0x0  }
0x4b: {  	s3 =	rddreg [dreg:$0x2];
	[bflag:$0x3] =	sbarrier.arrive $0xFFFF;
	s2 =	simm.s32 @!p0 $0x1C01  }
0x4c: {  	[timem:s3], [sflag:s2] =	dma.local @!p0 [hbm:s0], s1  }
0x4d: {  	s0 =	simm.s32 @!p0 $0x1  }
0x4e: {  	_ =	swait.ge @!p0 [sflag:s0], s1  }
0x4f: {  	s1 =	ssub.s32 @!p0 $0x0, s1;
	[sflag:s0] =	ssyncset.done @!p0 $0x0  }
0x50: {  	[sflag:s0] =	ssyncadd.s32 @!p0 s1  }
0x51: {  	[bflag:$0x3] =	sbarrier.arrive $0xFFFF  }
0x52: {  	_ =	shalt  }

// kernel: kernel.9.cloned.1.call-start
scs
__scs_entry_jumppad:
0x0: {  	(pc) =	sbr.rel $0x88, $3  }
0x1: {  	(tag) =	ssettag $0x0;
	lr =	simm.s32 $0x1  }
0x2: {  	[smem:$0x3F9B] =	sst lr;
	_ =	strace $0xD0000000  }
0x3: {  	_ = 	snop  }
0x4: {  	_ = 	snop  }
0x5: {  	_ = 	snop  }
0x6: {  	_ = 	snop  }
0x7: {  	_ = 	snop  }
__scs_overlays_trampoline_lowered:
0x8: {  	[smem:$0x3FAA] =	sst s0  }
0x9: {  	[smem:$0x3FAB] =	sst s1  }
0xa: {  	[smem:$0x3FAC] =	sst s2  }
0xb: {  	[smem:$0x3FAD] =	sst s3  }
0xc: {  	[smem:$0x3FAE] =	sst s4  }
0xd: {  	[smem:$0x3FAF] =	sst s5  }
0xe: {  	[smem:$0x3FB0] =	sst s6  }
0xf: {  	[smem:$0x3FB1] =	sst s7  }
0x10: {  	[smem:$0x3FB2] =	sst s8  }
0x11: {  	[smem:$0x3FB3] =	sst s9;
	s0 =	simm.s32 @!p0 $0x0  }
0x12: {  	s1 =	sld [smem:$0x3F99];
	s0 =	simm.s32 @p0 $0x1  }
0x13: {  	[smem:$0x3FB4] =	sst s0;
	s0 =	simm.s32 @!p1 $0x0  }
0x14: {  	s2 =	sld [smem:$0x3F98];
	s0 =	simm.s32 @p1 $0x1  }
0x15: {  	[smem:$0x3FB5] =	sst s0;
	s0 =	simm.s32 @!p2 $0x0  }
0x16: {  	s3 =	sld [smem:$0x3FDB];
	s0 =	simm.s32 @p2 $0x1  }
0x17: {  	s4 =	simm.s32 $0x1BF5;
	[smem:$0x3FB7] =	sst s0  }
0x18: {  	s0 =	sld [smem:$0x3F9A];
	_ =	swait.ge [sflag:s4], $0x0  }
0x19: {  	s7 =	sld [smem:$0x3F9B]  }
0x1a: {  	s8 =	sadd.s32 $0xFFFFE003, lr  }
0x1b: {  	s9 =	sadd.s32 $0xFFFFFEF7, lr;
	s5 =	simm.s32 $0xFFFFFFFF;
	p2 =	slt.u32 s8, $0xFFFFF086  }
0x1c: {  	p1 =	slt.u32 s9, $0xF7A;
	s5 =	simm.s32 @!p2 $0x0  }
0x1d: {  	s5 =	simm.s32 @p1 $0x1;
	p0 =	seq.s32 s7, s2  }
0x1e: {  	s7 =	smul.u32 @!p0 $0xF7A, s2;
	p2 =	seq.s32 @!p0 s5, $0x0  }
0x1f: {  	s9 =	smul.u32 $0xF7A, s1;
	s8 =	simm.s32 @!p0 $0x1BF5;
	p2 =	por !p2, p0  }
0x20: {  	[sflag:s8] =	ssyncset.s32 @!p0 $0xFFFFF086;
	s6 =	sadd.s32 @!p0 s3, s7;
	s7 =	simm.s32 @!p0 $0x108  }
0x21: {  	s3 =	sadd.s32 s3, s9;
	s6 =	sadd.s32 @!p0 $0x88, s6;
	s7 =	simm.s32 @p2 $0x1082  }
0x22: {  	[simem:s7], [sflag:s8] =	dma.local @!p0 [hbm:s6], $0xF7A  }
0x23: {  	s9 =	sor.u32 $0xD0000000, s2;
	s6 =	simm.s32 $0x108;
	_ =	swait.ge @!p0 [sflag:s8], $0x0  }
0x24: {  	s3 =	sadd.s32 $0x88, s3;
	s6 =	simm.s32 @!p1 $0x1082;
	[sflag:s4] =	ssyncset.s32 $0xFFFFF086  }
0x25: {  	[simem:s6], [sflag:s4] =	dma.local [hbm:s3], $0xF7A  }
0x26: {  	[smem:$0x3F9B] =	sst s1;
	(tag) =	ssettag s2;
	_ =	strace s9  }
0x27: {  	s1 =	sld [smem:$0x3FAB]  }
0x28: {  	s2 =	sld [smem:$0x3FAC]  }
0x29: {  	s4 =	sld [smem:$0x3FAE]  }
0x2a: {  	p0 =	seq.s32 s5, $0x0;
	s5 =	sld [smem:$0x3FAF]  }
0x2b: {  	s6 =	sld [smem:$0x3FB0]  }
0x2c: {  	s7 =	sld [smem:$0x3FB1]  }
0x2d: {  	s3 =	simm.s32 $0x108;
	s8 =	sld [smem:$0x3FB2]  }
0x2e: {  	s3 =	simm.s32 @!p0 $0x1082;
	s9 =	sld [smem:$0x3FB3]  }
0x2f: {  	lr =	sadd.s32 s0, s3;
	s0 =	sld [smem:$0x3FAA]  }
0x30: {  	s3 =	sld [smem:$0x3FAD]  }
0x31: {  	[smem:$0x3FB6] =	sst s10  }
0x32: {  	s10 =	sld [smem:$0x3FB4];
	_ =	sdelay $0x3  }
0x33: {  	p0 =	seq.s32 s10, $0x1;
	s10 =	sld [smem:$0x3FB6];
	_ =	sdelay $0x3  }
0x34: {  	[smem:$0x3FB6] =	sst s10  }
0x35: {  	s10 =	sld [smem:$0x3FB5];
	_ =	sdelay $0x3  }
0x36: {  	p1 =	seq.s32 s10, $0x1;
	s10 =	sld [smem:$0x3FB6];
	_ =	sdelay $0x3  }
0x37: {  	[smem:$0x3FB6] =	sst s10  }
0x38: {  	s10 =	sld [smem:$0x3FB7]  }
0x39: {  	_ = 	snop;
	(pc) =	sbr.ind lr, $3  }
0x3a: {  	_ = 	snop  }
0x3b: {  	_ = 	snop  }
0x3c: {  	p2 =	seq.s32 s10, $0x1;
	s10 =	sld [smem:$0x3FB6]  }
0x3d: {  	_ =	shalt  }
0x3e: {  	_ =	shalt  }
0x3f: {  	_ =	shalt  }
0x40: {  	_ =	shalt  }
0x41: {  	_ =	shalt  }
0x42: {  	_ =	shalt  }
0x43: {  	_ =	shalt  }
0x44: {  	_ =	shalt  }
0x45: {  	_ =	shalt  }
0x46: {  	_ =	shalt  }
0x47: {  	_ =	shalt  }
0x48: {  	_ =	shalt  }
0x49: {  	_ =	shalt  }
0x4a: {  	_ =	shalt  }
0x4b: {  	_ =	shalt  }
0x4c: {  	_ =	shalt  }
0x4d: {  	_ =	shalt  }
0x4e: {  	_ =	shalt  }
0x4f: {  	_ =	shalt  }
0x50: {  	_ =	shalt  }
0x51: {  	_ =	shalt  }
0x52: {  	_ =	shalt  }
0x53: {  	_ =	shalt  }
0x54: {  	_ =	shalt  }
0x55: {  	_ =	shalt  }
0x56: {  	_ =	shalt  }
0x57: {  	_ =	shalt  }
0x58: {  	_ =	shalt  }
0x59: {  	_ =	shalt  }
0x5a: {  	_ =	shalt  }
0x5b: {  	_ =	shalt  }
0x5c: {  	_ =	shalt  }
0x5d: {  	_ =	shalt  }
0x5e: {  	_ =	shalt  }
0x5f: {  	_ =	shalt  }
0x60: {  	_ =	shalt  }
0x61: {  	_ =	shalt  }
0x62: {  	_ =	shalt  }
0x63: {  	_ =	shalt  }
0x64: {  	_ =	shalt  }
0x65: {  	_ =	shalt  }
0x66: {  	_ =	shalt  }
0x67: {  	_ =	shalt  }
0x68: {  	_ =	shalt  }
0x69: {  	_ =	shalt  }
0x6a: {  	_ =	shalt  }
0x6b: {  	_ =	shalt  }
0x6c: {  	_ =	shalt  }
0x6d: {  	_ =	shalt  }
0x6e: {  	_ =	shalt  }
0x6f: {  	_ =	shalt  }
0x70: {  	_ =	shalt  }
0x71: {  	_ =	shalt  }
0x72: {  	_ =	shalt  }
0x73: {  	_ =	shalt  }
0x74: {  	_ =	shalt  }
0x75: {  	_ =	shalt  }
0x76: {  	_ =	shalt  }
0x77: {  	_ =	shalt  }
0x78: {  	_ =	shalt  }
0x79: {  	_ =	shalt  }
0x7a: {  	_ =	shalt  }
0x7b: {  	_ =	shalt  }
0x7c: {  	_ =	shalt  }
0x7d: {  	_ =	shalt  }
0x7e: {  	_ =	shalt  }
0x7f: {  	_ =	shalt  }
0x80: {  	_ =	shalt  }
0x81: {  	_ =	shalt  }
0x82: {  	_ =	shalt  }
0x83: {  	_ =	shalt  }
0x84: {  	_ =	shalt  }
0x85: {  	_ =	shalt  }
0x86: {  	_ =	shalt  }
0x87: {  	_ =	shalt  }
.Lfunc_end0:
.L_simem_size_0:
called_computation.1_lowered:
.L_overlay_start_0:
0x88: {  	s2 =	sld [smem:$0x3FD9]  }
0x89: {  	s3 =	sld [smem:$0x3FFE];
	_ =	sdelay $0x1  }
0x8a: {  	s1 =	srdreg.scid  }
0x8b: {  	s0 =	sand.u32 $0x1, s1  }
0x8c: {  	s17 =	sshll.u32 s0, $0xA;
	s2 =	sadd.s32 s3, s2  }
0x8d: {  	s2 =	sadd.s32 s2, s17  }
0x8e: {  	[smem:$0x3FC2] =	sst s2  }
0x8f: {  	_ = 	snop  }
0x90: {  	s2 =	sld [smem:$0x3FD0];
	(tm) =	ssettm $0x1  }
0x91: {  	s18 =	sld [smem:$0x3FFB];
	_ =	sdelay $0x3  }
0x92: {  	_ =	strace s18  }
0x93: {  	s3 =	sld [smem:$0x3FFC];
	_ =	sdelay $0x3  }
0x94: {  	_ =	strace s3  }
0x95: {  	s3 =	sld [smem:$0x3FFD];
	_ =	sdelay $0x3  }
0x96: {  	_ =	strace s3  }
0x97: {  	_ =	strace $0x8FFFFFFF  }
0x98: {  	s19 =	sld [smem:$0x3FDB];
	_ =	sdelay $0x1  }
0x99: {  	s4 =	simm.s32 $_scs_section_size  }
0x9a: {  	s5 =	simm.s32 $_size__tile_overlayer_lowered;
	s6 =	simm.s32 $_tile_overlayer_lowered  }
0x9b: {  	s22 =	simm.s32 $0x1BFF;
	s21 =	sshll.u32 s6, $0x1;
	s3 =	sadd.s32 s4, s19  }
0x9c: {  	s7 =	simm.s32 $0x0;
	s20 =	sshll.u32 s5, $0x1;
	s5 =	sadd.s32 s21, s3  }
0x9d: {  	[timem:s7], [sflag:s22] =	dma.local [hbm:s5], s20  }
0x9e: {  	_ =	swait.ge [sflag:s22], s20  }
0x9f: {  	s4 =	ssub.s32 $0x0, s20;
	[sflag:s22] =	ssyncset.done $0x0  }
0xa0: {  	[sflag:s22] =	ssyncadd.s32 s4;
	_ =	sdelay $0x1  }
0xa1: {  	s23 =	simm.s32 $0x1B8B  }
0xa2: {  	_ =	swait.ge [sflag:s23], $0x1  }
0xa3: {  	[sflag:s23] =	ssyncset.done $0x0  }
0xa4: {  	s25 =	simm.s32 $0x1B8E;
	s24 =	sld [smem:$0x3FFE];
	[sflag:s23] =	ssyncadd.s32 $0xFFFFFFFF  }
0xa5: {  	s26 =	simm.s32 $execute0_lowered;
	[smem:$0x3FD2] =	sst s25  }
0xa6: {  	s5 =	sshll.u32 s26, $0x1;
	_ =	strace $0x80000049;
	[dreg:$0x1] =	wrdreg $0xFFFFFFFF  }
0xa7: {  	s28 =	simm.s32 $_size_execute0_lowered;
	s3 =	sadd.s32 s3, s5;
	[dreg:$0x0] =	wrdreg $0x0  }
0xa8: {  	s5 =	sshll.u32 s28, $0x1;
	[dreg:$0x2] =	wrdreg s3  }
0xa9: {  	[dreg:$0x3] =	wrdreg s5  }
0xaa: {  	[dreg:$0x4] =	wrdreg $0xC0  }
0xab: {  	_ =	task [dreg:s7], $0x5FFFF  }
0xac: {  	[dreg:$0x1] =	wrdreg $0xFFFFFFFF  }
0xad: {  	[dreg:$0x0] =	wrdreg $0x60  }
0xae: {  	[dreg:$0x2] =	wrdreg s24  }
0xaf: {  	[dreg:$0x3] =	wrdreg s2  }
0xb0: {  	[dreg:$0x4] =	wrdreg $0x90000  }
0xb1: {  	[dreg:$0x5] =	wrdreg $0x9  }
0xb2: {  	_ =	task.clear_ibuf [dreg:s7], $0x6FFFF;
	_ =	strace $0x90000049  }
0xb3: {  	s29 =	simm.s32 $0x9;
	_ =	strace $0x8000004B  }
0xb4: {  	_ =	swait.ge [sflag:s29], $0x1  }
0xb5: {  	[sflag:s29] =	ssyncadd.s32 $0xFFFFFFFF  }
0xb6: {  	_ =	strace $0x9000004B  }
0xb7: {  	_ =	sfence  }
0xb8: {  	s30 =	sld [smem:$0x0];
	_ =	sdelay $0x2  }
0xb9: {  	s31 =	sshll.u32 s1, $0xD;
	s1 =	sshrl.u32 s1, $0x2  }
0xba: {  	s3 =	sand.u32 $0x4000, s31;
	s1 =	sadd.s32 s1, s30  }
0xbb: {  	s0 =	sor.u32 s3, s0;
	s1 =	sshll.u32 s1, $0x11  }
0xbc: {  	s0 =	sor.u32 s1, s0  }
0xbd: {  	s0 =	sadd.s32 $0x8F2B, s0  }
0xbe: {  	[sflag:s0] =	ssyncadd.remote.s32 $0x1  }
0xbf: {  	_ =	sfence.sel $0xFFFF  }
0xc0: {  	[dreg:$0x0] =	wrdreg $0xFFFFFFFF;
	(pc) =	sbr.abs _section_cstart, $3  }
0xc1: {  	[dreg:$0x1] =	wrdreg $0xFFFFFFFF  }
0xc2: {  	_ =	task.clear_ibuf [dreg:s7], $0x2FFFF;
	_ =	strace $0x9FFFFFFF  }
0xc3: {  	(tm) =	ssettm $0x7FFFFFFF  }
tec
execute0_lowered:
.L_overlay_start_1:
0x0: {  	(tag) =	ssettag $0x1  }
0x1: {  	s6 =	rddreg [dreg:$0x0]  }
0x2: {  	s0 =	srdreg.scid;
	s10 =	rddreg [dreg:$0x1]  }
0x3: {  	s2 =	rddreg [dreg:$0x2];
	s3 =	simm.s32 $0x0;
	s15 =	simm.s32 $0x2  }
0x4: {  	s16 =	simm.s32 $0x2800;
	s17 =	simm.s32 $0x80;
	s5 =	sand.u32 $0x1, s0  }
0x5: {  	s18 =	simm.s32 $0x1;
	s0 =	stileid.u32;
	s7 =	smul.u32 $0x13C000, s5  }
0x6: {  	[smem:$0x7FF] =	sst s3;
	s4 =	sadd.s32 $0xC000, s6;
	s8 =	smul.u32 $0x13C00, s0  }
0x7: {  	s1 =	sshll.u32 s5, $0x4;
	s9 =	smul.u32 $0x4F000, s0;
	s29 =	ssub.s32 $0x2, s5  }
0x8: {  	s19 =	sshll.u32 s0, $0x6;
	s1 =	sor.u32 s0, s1;
	s31 =	sshrl.u32 s29, $0x1  }
0x9: {  	s19 =	sor.u32 $0x1C02, s19;
	s11 =	smul.u32 $0x500, s1;
	s1 =	rddreg [dreg:$0x3]  }
0xa: {  	_ =	strace $0x8000004A;
	s7 =	sadd.s32 s8, s7;
	s30 =	sshrl.u32 s9, $0x2  }
0xb: {  	s14 =	ssub.s32 s29, s31;
	s7 =	sshrl.u32 s7, $0x3;
	s5 =	sadd.s32 s30, s2  }
0xc: {  	s12 =	sadd.s32 s11, s6;
	s13 =	sadd.s32 s7, s6;
	s6 =	sadd.s32 $0x4000, s5  }
0xd: {  	s7 =	sadd.s32 $0x8000, s5;
	s8 =	sadd.s32 $0xC000, s5;
	s9 =	sadd.s32 $0x10000, s5  }
0xe: {  	s10 =	sadd.s32 s10, s11;
	s20 =	sshrl.u32 s5, $0x3;
	s11 =	sadd.s32 $0x2000, s12  }
0xf: {  	v0 =	vimm.f32 $0.0e+00;
	s12 =	sadd.s32 $0x33800, s13;
	s13 =	smax.u32 s14, $0x1;
	s14 =	simm.s32 $0x5000  }
.LBB2_1:
0x10: {  	s21 =	simm.s32 $0x0;
	s22 =	simm.s32 $0x200  }
.LBB2_2:
0x11: {  	p0 =	sne.s32 s22, $0xFE00;
	[tilespmem:s21+$0x5070] =	vst v0  }
0x12: {  	[tilespmem:s21+$0x5000] =	vst v0  }
0x13: {  	[tilespmem:s21+$0x5010] =	vst v0  }
.Ltmp0:
0x14: {  	[tilespmem:s21+$0x5020] =	vst v0;
	(pc) =	sbr.rel @p0 .LBB2_2-.Ltmp0, $4  }
0x15: {  	[tilespmem:s21+$0x5030] =	vst v0  }
0x16: {  	[tilespmem:s21+$0x5040] =	vst v0  }
0x17: {  	[tilespmem:s21+$0x5050] =	vst v0  }
0x18: {  	[tilespmem:s21+$0x5060] =	vst v0;
	s21 =	sshra.s32 s22, $0x2;
	s22 =	sadd.s32 $0x200, s22  }
0x19: {  	[tilespmem:s21+$0x5070] =	vst v0  }
0x1a: {  	[tilespmem:s21+$0x5000] =	vst v0  }
0x1b: {  	[tilespmem:s21+$0x5010] =	vst v0  }
0x1c: {  	[tilespmem:s21+$0x5020] =	vst v0  }
0x1d: {  	[tilespmem:s21+$0x5030] =	vst v0  }
0x1e: {  	[tilespmem:s21+$0x5040] =	vst v0  }
0x1f: {  	[tilespmem:s21+$0x5050] =	vst v0  }
0x20: {  	[tilespmem:s21+$0x5060] =	vst v0  }
0x21: {  	[spmem:s5] =	stream.linear.scatter [tilespmem:s14], [sflag:$0x2], $0x4000, $0x38;
	[tilespmem:$0x1CC00] =	vst v63  }
0x22: {  	_ =	swait.ge [sflag:s15], $0x4000  }
0x23: {  	[sflag:s15] =	ssyncset.done $0x0  }
0x24: {  	[sflag:s15] =	ssyncadd.s32 $0xFFFFC000  }
0x25: {  	[spmem:s6] =	stream.linear.scatter [tilespmem:s14], [sflag:$0x2], $0x4000, $0x38;
	[tilespmem:$0x1CC00] =	vst v63  }
0x26: {  	_ =	swait.ge [sflag:s15], $0x4000  }
0x27: {  	[sflag:s15] =	ssyncset.done $0x0  }
0x28: {  	[sflag:s15] =	ssyncadd.s32 $0xFFFFC000  }
0x29: {  	[spmem:s7] =	stream.linear.scatter [tilespmem:s14], [sflag:$0x2], $0x4000, $0x38;
	[tilespmem:$0x1CC00] =	vst v63  }
0x2a: {  	_ =	swait.ge [sflag:s15], $0x4000  }
0x2b: {  	[sflag:s15] =	ssyncset.done $0x0  }
0x2c: {  	[sflag:s15] =	ssyncadd.s32 $0xFFFFC000  }
0x2d: {  	[spmem:s8] =	stream.linear.scatter [tilespmem:s14], [sflag:$0x2], $0x4000, $0x38;
	[tilespmem:$0x1CC00] =	vst v63  }
0x2e: {  	_ =	swait.ge [sflag:s15], $0x4000  }
0x2f: {  	[sflag:s15] =	ssyncset.done $0x0  }
0x30: {  	[sflag:s15] =	ssyncadd.s32 $0xFFFFC000  }
0x31: {  	[spmem:s9] =	stream.linear.scatter [tilespmem:s14], [sflag:$0x2], $0x3C00, $0x38;
	[tilespmem:$0x1CC00] =	vst v63  }
0x32: {  	_ =	swait.ge [sflag:s15], $0x3C00  }
0x33: {  	[sflag:s15] =	ssyncset.done $0x0  }
0x34: {  	s29 =	simm.s32 $0x0;
	[sflag:s15] =	ssyncadd.s32 $0xFFFFC400  }
0x35: {  	[tilespmem:s29], [sflag:$0x2] =	stream.linear.gather [hbm4b:s10+s29], $0x2800, $0x38;
	[tilespmem:$0x1CC00] =	vst v63  }
0x36: {  	_ =	swait.ge [sflag:s15], $0x2800  }
0x37: {  	[sflag:s15] =	ssyncset.done $0x0  }
0x38: {  	[sflag:s15] =	ssyncadd.s32 $0xFFFFD800  }
0x39: {  	[tilespmem:s16], [sflag:$0x2] =	stream.linear.gather [hbm4b:s11+s29], $0x2800, $0x38;
	[tilespmem:$0x1CC00] =	vst v63  }
0x3a: {  	_ =	swait.ge [sflag:s15], $0x2800  }
0x3b: {  	[sflag:s15] =	ssyncset.done $0x0  }
0x3c: {  	[sflag:s15] =	ssyncadd.s32 $0xFFFFD800  }
0x3d: {  	s30 =	simm.s32 $0x0;
	[bflag:$0x0] =	sbarrier.arrive $0xFFFF  }
0x3e: {  	[tilespmem:s14], [sflag:$0x1] =	stream.indirect.gather [hbm4b:s4+s17], $0x80, s30, s17, $0xb8;
	[tilespmem:$0x1CC00] =	vst v63  }
0x3f: {  	_ =	swait.ge [sflag:s18], $0x4000  }
0x40: {  	[sflag:s18] =	ssyncset.done $0x0  }
0x41: {  	s31 =	simm.s32 $0x2800;
	[sflag:s18] =	ssyncadd.s32 $0xFFFFC000  }
0x42: {  	[spmem:s2] =	stream.indirect.scatter.add.f32 [tilespmem:s14], [sflag:$0x2], $0x80, s31, s17, $0xb8;
	[tilespmem:$0x1CC00] =	vst v63  }
0x43: {  	_ =	swait.ge [sflag:s15], $0x4000  }
0x44: {  	s21 =	simm.s32 $0x200;
	s22 =	simm.s32 $0x400;
	[sflag:s15] =	ssyncset.done $0x0  }
.LBB2_4:
0x45: {  	s23 =	sshra.s32 s21, $0x2  }
0x46: {  	[sflag:s15] =	ssyncadd.s32 $0xFFFFC000;
	s21 =	smov.u32 s22;
	s24 =	sadd.s32 $0x200, s22  }
0x47: {  	[tilespmem:s14], [sflag:$0x1] =	stream.indirect.gather [hbm4b:s4+s17], $0x80, s23, s17, $0xb8;
	[tilespmem:$0x1CC00] =	vst v63  }
0x48: {  	p0 =	sne.s32 s22, $0x9E00;
	_ =	swait.ge [sflag:s18], $0x4000  }
.Ltmp1:
0x49: {  	[sflag:s18] =	ssyncset.done $0x0;
	(pc) =	sbr.rel @p0 .LBB2_4-.Ltmp1, $4  }
0x4a: {  	s22 =	sadd.s32 $0x2800, s23;
	[sflag:s18] =	ssyncadd.s32 $0xFFFFC000  }
0x4b: {  	[spmem:s2] =	stream.indirect.scatter.add.f32 [tilespmem:s14], [sflag:$0x2], $0x80, s22, s17, $0xb8;
	[tilespmem:$0x1CC00] =	vst v63  }
0x4c: {  	_ =	swait.ge [sflag:s15], $0x4000  }
0x4d: {  	s22 =	smov.u32 s24;
	[sflag:s15] =	ssyncset.done $0x0  }
0x4e: {  	s21 =	sshra.s32 s21, $0x2;
	[sflag:s15] =	ssyncadd.s32 $0xFFFFC000  }
0x4f: {  	[tilespmem:s14], [sflag:$0x1] =	stream.indirect.gather [hbm4b:s4+s17], $0x80, s21, s17, $0xb8;
	[tilespmem:$0x1CC00] =	vst v63  }
0x50: {  	_ =	swait.ge [sflag:s18], $0x4000  }
0x51: {  	[sflag:s18] =	ssyncset.done $0x0  }
0x52: {  	s21 =	sadd.s32 $0x2800, s21;
	[sflag:s18] =	ssyncadd.s32 $0xFFFFC000  }
0x53: {  	[spmem:s2] =	stream.indirect.scatter.add.f32 [tilespmem:s14], [sflag:$0x2], $0x80, s21, s17, $0xb8;
	[tilespmem:$0x1CC00] =	vst v63  }
0x54: {  	_ =	swait.ge [sflag:s15], $0x4000  }
0x55: {  	[sflag:s15] =	ssyncset.done $0x0  }
0x56: {  	s3 =	sadd.s32 $0x1, s3;
	[sflag:s15] =	ssyncadd.s32 $0xFFFFC000  }
0x57: {  	p0 =	sne.s32 s3, s13;
	[bflag:$0x0] =	sbarrier.arrive $0xFFFF  }
0x58: {  	[hbm:s12], [sflag:s19] =	dma.local [spmem:s20], $0x2780  }
.Ltmp2:
0x59: {  	_ =	swait.ge [sflag:s15], $0x2780;
	(pc) =	sbr.rel @p0 .LBB2_1-.Ltmp2, $3  }
0x5a: {  	[sflag:s15] =	ssyncset.done $0x0  }
0x5b: {  	[sflag:s15] =	ssyncadd.s32 $0xFFFFD880  }
0x5c: {  	[bflag:$0x0] =	sbarrier.arrive $0xFFFF;
	_ =	sdelay $0x1  }
0x5d: {  	_ =	sfence.sel $0x180000  }
0x5e: {  	[bflag:$0x0] =	sbarrier.arrive $0xFFFF  }
0x5f: {  	p0 =	sne.s32 s0, $0x0;
	_ =	strace $0x9000004A  }
0x60: {  	s0 =	sadd.s32 @!p0 $0x100000, s1;
	[bflag:$0x2] =	sbarrier.arrive $0xFFFF  }
0x61: {  	[sflag:s0] =	ssyncadd.tile.s32 @!p0 $0x1;
	_ =	shalt  }
.Lfunc_end2:
_tile_overlayer_lowered:
.L_overlay_start_2:
0x62: {  	(tag) =	ssettag $0x2  }
0x63: {  	s0 =	rddreg [dreg:$0x0];
	s2 =	stileid.u32  }
0x64: {  	s1 =	rddreg [dreg:$0x1];
	p0 =	sne.s32 s2, $0x0  }
0x65: {  	s3 =	rddreg [dreg:$0x2];
	[bflag:$0x3] =	sbarrier.arrive $0xFFFF;
	s2 =	simm.s32 @!p0 $0x1C02  }
0x66: {  	[timem:s3], [sflag:s2] =	dma.local @!p0 [hbm:s0], s1  }
0x67: {  	s0 =	simm.s32 @!p0 $0x2  }
0x68: {  	_ =	swait.ge @!p0 [sflag:s0], s1  }
0x69: {  	s1 =	ssub.s32 @!p0 $0x0, s1;
	[sflag:s0] =	ssyncset.done @!p0 $0x0  }
0x6a: {  	[sflag:s0] =	ssyncadd.s32 @!p0 s1  }
0x6b: {  	[bflag:$0x3] =	sbarrier.arrive $0xFFFF  }
0x6c: {  	_ =	shalt  }

</sc_bundles>
